<compile_context>
chip_gen: v7x
topology: tpu7x:2x2x1
jax: 0.10.2.dev20260603
libtpu: 0.0.44.dev20260713+nightly
codegen_flags: <defaults>
</compile_context>

<pallas_src>
import functools

import jax
import jax.numpy as jnp
from jax import lax
from jax.experimental import pallas as pl
from jax.experimental.pallas import tpu as pltpu
from jax.experimental.pallas import tpu_sc as plsc

NUM_CLASSES = 1000
ROWS = 4096
COLS = 20
L = 16
NW = 32
SLAB = ROWS // NW
TRPC = 25
KPC = 8 * TRPC
CPJ = NUM_CLASSES // KPC
NCHUNK = COLS * CPJ
GRP = SLAB // L


def _make_sc_one_hot():
    mesh = plsc.VectorSubcoreMesh(core_axis_name="c", subcore_axis_name="s")

    @functools.partial(
        pl.kernel,
        mesh=mesh,
        compiler_params=pltpu.CompilerParams(needs_layout_passes=False),
        out_type=jax.ShapeDtypeStruct((COLS, NUM_CLASSES, ROWS), jnp.float32),
        scratch_types=[
            pltpu.VMEM((COLS, SLAB), jnp.int32),
            pltpu.VMEM((KPC, SLAB), jnp.float32),
            pltpu.VMEM((KPC, SLAB), jnp.float32),
            pltpu.SemaphoreType.DMA,
            pltpu.SemaphoreType.DMA,
        ],
    )
    def k(xt_hbm, out_hbm, idb, buf0, buf1, sem0, sem1):
        wid = lax.axis_index("s") * 2 + lax.axis_index("c")
        d0_base = wid * SLAB

        idb_copy = pltpu.async_copy(xt_hbm.at[:, pl.ds(d0_base, SLAB)], idb, sem0)

        iota = lax.iota(jnp.int32, L)
        z = jnp.zeros((L,), jnp.float32)

        def zero(buf):
            def zbody(i, _):
                for s in range(SLAB // L):
                    buf[i, pl.ds(s * L, L)] = z
                return 0

            lax.fori_loop(0, KPC, zbody, 0)

        def scatter(buf, q, value):
            j = q // CPJ
            kbase = (q % CPJ) * KPC
            vals = jnp.full((L,), value, jnp.float32)
            for g in range(GRP):
                ids = idb[j, pl.ds(g * L, L)]
                r = ids - kbase
                match = (r >= 0) & (r < KPC)
                plsc.store_scatter(
                    buf, [jnp.where(match, r, 0), iota + g * L], vals, mask=match
                )

        NB = 2
        bufs = (buf0, buf1)
        sems = (sem0, sem1)

        def dst(q):
            j = q // CPJ
            kbase = (q % CPJ) * KPC
            return out_hbm.at[j, pl.ds(kbase, KPC), pl.ds(d0_base, SLAB)]

        def fire(q, buf, sem):
            pltpu.async_copy(buf, dst(q), sem)

        def drain(q, buf, sem):
            pltpu.make_async_copy(buf, dst(q), sem).wait()

        for b in range(NB):
            zero(bufs[b])
            if b == 0:
                idb_copy.wait()
            scatter(bufs[b], jnp.int32(b), 1.0)
            fire(jnp.int32(b), bufs[b], sems[b])

        def body(g, _):
            for b in range(NB):
                q = g + b
                drain(q - NB, bufs[b], sems[b])
                scatter(bufs[b], q - NB, 0.0)
                scatter(bufs[b], q, 1.0)
                fire(q, bufs[b], sems[b])
            return 0

        lax.fori_loop(1, NCHUNK // NB, lambda g, s: body(g * NB, s), 0)

        for b in range(NB):
            drain(jnp.int32(NCHUNK - NB + b), bufs[b], sems[b])

    return k


_sc_one_hot = _make_sc_one_hot()


def kernel(x):
    xt = jnp.transpose(x.astype(jnp.int32))
    out_t = _sc_one_hot(xt)
    return jnp.transpose(out_t, (2, 0, 1))

# --- scband reference (transcript-rebuilt; emitter-appended) ---
"""Pipeline reference for scband-one-hot-44504451121159 (READ-ONLY COPY).

The authoritative reference and input builder live on the scoring server;
editing this copy changes nothing except your own understanding.
"""

import jax, jax.numpy as jnp
import numpy as np

NUM_CLASSES = 1000


def setup_inputs(seed: int = 0) -> dict:
    key = jax.random.key(seed)
    x = jax.random.randint(key, (4096, 20), 0, 1000, dtype=jnp.int64)
    return {"x": x}


def reference(x) -> jnp.ndarray:
    # y = x.squeeze().long()
    y = jnp.squeeze(x).astype(jnp.int64)
    # mask = y == -100; y[mask] = 0
    mask = y == -100
    y = jnp.where(mask, 0, y)
    # out = one_hot(y, num_classes).float()
    out = jax.nn.one_hot(y, NUM_CLASSES, dtype=jnp.float32)
    if out.ndim == 3:
        # out[:, :, 0][mask] = 0
        out = out.at[:, :, 0].set(jnp.where(mask, 0.0, out[:, :, 0]))
    else:
        out = out.at[:, 0].set(jnp.where(mask, 0.0, out[:, 0]))
        out = out[:, None, :]
    return out

if __name__ == "__main__":
    import jax
    _d = setup_inputs()
    print(jax.jit(kernel)(*tuple(_d.values())))

</pallas_src>

<mosaic_0001>
#map = affine_map<(d0, d1) -> (0, 0)>
#map1 = affine_map<(d0, d1) -> (0, 0, 0)>
module attributes {stable_mosaic.version = 14 : i64} {
  func.func @k(%arg0: i32, %arg1: i32, %arg2: memref<20x4096xi32, #tpu.memory_space<hbm>>, %arg3: memref<20x1000x4096xf32, #tpu.memory_space<hbm>>, %arg4: memref<20x128xi32, #tpu.memory_space<vmem>>, %arg5: memref<200x128xf32, #tpu.memory_space<vmem>>, %arg6: memref<200x128xf32, #tpu.memory_space<vmem>>, %arg7: memref<!tpu.dma_semaphore, #tpu.memory_space<semaphore_mem>>, %arg8: memref<!tpu.dma_semaphore, #tpu.memory_space<semaphore_mem>>) attributes {dimension_semantics = [#tpu.dimension_semantics<core_parallel>, #tpu.dimension_semantics<subcore_parallel>], iteration_bounds = array<i64: 2, 16>, scalar_prefetch = 0 : i64, scratch_operands = 5 : i64, tpu.core_type = #tpu.core_type<sc_vector_subcore>, window_params = [{transform_indices = #map}, {transform_indices = #map1}]} {
    %mul3A = arith.constant 2 : i32
    %mul3A_0 = arith.muli %arg1, %mul3A : i32
    %add3A = arith.addi %mul3A_0, %arg0 : i32
    %mul3A_1 = arith.constant 128 : i32
    %mul3A_2 = arith.muli %add3A, %mul3A_1 : i32
    %dma_start3A = arith.constant 0 : i32
    %dma_start3A_3 = tpu.memref_slice %arg2[%dma_start3A, %mul3A_2] : memref<20x4096xi32, #tpu.memory_space<hbm>> -> memref<20x128xi32, #tpu.memory_space<hbm>>
    %dma_start3A_4 = arith.constant 0 : i32
    %dma_start3A_5 = tpu.memref_slice %arg2[%dma_start3A_4, %mul3A_2] : memref<20x4096xi32, #tpu.memory_space<hbm>> -> memref<20x128xi32, #tpu.memory_space<hbm>>
    tpu.enqueue_dma source(%dma_start3A_5 : memref<20x128xi32, #tpu.memory_space<hbm>>) target(%arg4 : memref<20x128xi32, #tpu.memory_space<vmem>>) target_semaphore(%arg7 : memref<!tpu.dma_semaphore, #tpu.memory_space<semaphore_mem>>)
    %iota3A = tpu.iota {dimensions = array<i32: 0>} : vector<16xi32>
    %broadcast_in_dim3A = arith.constant 0.000000e+00 : f32
    %broadcast_in_dim3A_6 = vector.broadcast %broadcast_in_dim3A : f32 to vector<16xf32>
    %scan3A = arith.constant 0 : i32
    %scan3A_7 = arith.constant 0 : i32
    %scan3A_8 = arith.constant 200 : i32
    %scan3A_9 = arith.addi %scan3A_7, %scan3A_8 : i32
    %scan3A_10 = arith.constant 1 : i32
    %scan3A_11 = scf.for %scan3A_590 = %scan3A_7 to %scan3A_9 step %scan3A_10 iter_args(%scan3A_591 = %scan3A) -> (i32)  : i32 {
      %swap3A = arith.index_cast %scan3A_590 : i32 to index
      %swap3A_592 = arith.constant 0 : index
      %swap3A_593 = tpu.vector_load %arg5[%swap3A, %swap3A_592] {strides = array<i32>} : memref<200x128xf32, #tpu.memory_space<vmem>>, vector<16xf32>,
      tpu.vector_store %arg5[%swap3A, %swap3A_592], %broadcast_in_dim3A_6 {strides = array<i32>} : memref<200x128xf32, #tpu.memory_space<vmem>>, vector<16xf32>,
      %swap3A_594 = arith.index_cast %scan3A_590 : i32 to index
      %swap3A_595 = arith.constant 16 : index
      %swap3A_596 = tpu.vector_load %arg5[%swap3A_594, %swap3A_595] {strides = array<i32>} : memref<200x128xf32, #tpu.memory_space<vmem>>, vector<16xf32>,
      tpu.vector_store %arg5[%swap3A_594, %swap3A_595], %broadcast_in_dim3A_6 {strides = array<i32>} : memref<200x128xf32, #tpu.memory_space<vmem>>, vector<16xf32>,
      %swap3A_597 = arith.index_cast %scan3A_590 : i32 to index
      %swap3A_598 = arith.constant 32 : index
      %swap3A_599 = tpu.vector_load %arg5[%swap3A_597, %swap3A_598] {strides = array<i32>} : memref<200x128xf32, #tpu.memory_space<vmem>>, vector<16xf32>,
      tpu.vector_store %arg5[%swap3A_597, %swap3A_598], %broadcast_in_dim3A_6 {strides = array<i32>} : memref<200x128xf32, #tpu.memory_space<vmem>>, vector<16xf32>,
      %swap3A_600 = arith.index_cast %scan3A_590 : i32 to index
      %swap3A_601 = arith.constant 48 : index
      %swap3A_602 = tpu.vector_load %arg5[%swap3A_600, %swap3A_601] {strides = array<i32>} : memref<200x128xf32, #tpu.memory_space<vmem>>, vector<16xf32>,
      tpu.vector_store %arg5[%swap3A_600, %swap3A_601], %broadcast_in_dim3A_6 {strides = array<i32>} : memref<200x128xf32, #tpu.memory_space<vmem>>, vector<16xf32>,
      %swap3A_603 = arith.index_cast %scan3A_590 : i32 to index
      %swap3A_604 = arith.constant 64 : index
      %swap3A_605 = tpu.vector_load %arg5[%swap3A_603, %swap3A_604] {strides = array<i32>} : memref<200x128xf32, #tpu.memory_space<vmem>>, vector<16xf32>,
      tpu.vector_store %arg5[%swap3A_603, %swap3A_604], %broadcast_in_dim3A_6 {strides = array<i32>} : memref<200x128xf32, #tpu.memory_space<vmem>>, vector<16xf32>,
      %swap3A_606 = arith.index_cast %scan3A_590 : i32 to index
      %swap3A_607 = arith.constant 80 : index
      %swap3A_608 = tpu.vector_load %arg5[%swap3A_606, %swap3A_607] {strides = array<i32>} : memref<200x128xf32, #tpu.memory_space<vmem>>, vector<16xf32>,
      tpu.vector_store %arg5[%swap3A_606, %swap3A_607], %broadcast_in_dim3A_6 {strides = array<i32>} : memref<200x128xf32, #tpu.memory_space<vmem>>, vector<16xf32>,
      %swap3A_609 = arith.index_cast %scan3A_590 : i32 to index
      %swap3A_610 = arith.constant 96 : index
      %swap3A_611 = tpu.vector_load %arg5[%swap3A_609, %swap3A_610] {strides = array<i32>} : memref<200x128xf32, #tpu.memory_space<vmem>>, vector<16xf32>,
      tpu.vector_store %arg5[%swap3A_609, %swap3A_610], %broadcast_in_dim3A_6 {strides = array<i32>} : memref<200x128xf32, #tpu.memory_space<vmem>>, vector<16xf32>,
      %swap3A_612 = arith.index_cast %scan3A_590 : i32 to index
      %swap3A_613 = arith.constant 112 : index
      %swap3A_614 = tpu.vector_load %arg5[%swap3A_612, %swap3A_613] {strides = array<i32>} : memref<200x128xf32, #tpu.memory_space<vmem>>, vector<16xf32>,
      tpu.vector_store %arg5[%swap3A_612, %swap3A_613], %broadcast_in_dim3A_6 {strides = array<i32>} : memref<200x128xf32, #tpu.memory_space<vmem>>, vector<16xf32>,
      %scan3A_615 = arith.constant 0 : i32
      scf.yield %scan3A_615 : i32
    }
    %scan3A_12 = arith.constant 200 : i32
    %dma_wait3A = arith.constant 0 : i32
    %dma_wait3A_13 = tpu.memref_slice %arg2[%dma_wait3A, %mul3A_2] : memref<20x4096xi32, #tpu.memory_space<hbm>> -> memref<20x128xi32, #tpu.memory_space<hbm>>
    %dma_wait3A_14 = arith.constant 0 : i32
    %dma_wait3A_15 = tpu.memref_slice %arg2[%dma_wait3A_14, %mul3A_2] : memref<20x4096xi32, #tpu.memory_space<hbm>> -> memref<20x128xi32, #tpu.memory_space<hbm>>
    tpu.wait_dma2 semaphore(%arg7 : memref<!tpu.dma_semaphore, #tpu.memory_space<semaphore_mem>>) src(%dma_wait3A_15 : memref<20x128xi32, #tpu.memory_space<hbm>>) dst(%arg4 : memref<20x128xi32, #tpu.memory_space<vmem>>)
    %jit3A = arith.constant 0 : i32
    %jit3A_16 = arith.constant 5 : i32
    %div3A = arith.divsi %jit3A, %jit3A_16 : i32
    %sign3A = arith.constant 0 : i32
    %sign3A_17 = arith.cmpi sgt, %jit3A, %sign3A : i32
    %sign3A_18 = arith.extui %sign3A_17 : i1 to i32
    %sign3A_19 = arith.constant 0 : i32
    %sign3A_20 = arith.cmpi slt, %jit3A, %sign3A_19 : i32
    %sign3A_21 = arith.extui %sign3A_20 : i1 to i32
    %sign3A_22 = arith.subi %sign3A_18, %sign3A_21 : i32
    %sign3A_23 = arith.constant 0 : i32
    %sign3A_24 = arith.cmpi sgt, %jit3A_16, %sign3A_23 : i32
    %sign3A_25 = arith.extui %sign3A_24 : i1 to i32
    %sign3A_26 = arith.constant 0 : i32
    %sign3A_27 = arith.cmpi slt, %jit3A_16, %sign3A_26 : i32
    %sign3A_28 = arith.extui %sign3A_27 : i1 to i32
    %sign3A_29 = arith.subi %sign3A_25, %sign3A_28 : i32
    %ne3A = arith.cmpi ne, %sign3A_22, %sign3A_29 : i32
    %rem3A = arith.remsi %jit3A, %jit3A_16 : i32
    %ne3A_30 = arith.constant 0 : i32
    %ne3A_31 = arith.cmpi ne, %rem3A, %ne3A_30 : i32
    %and3A = arith.andi %ne3A, %ne3A_31 : i1
    %sub3A = arith.constant 1 : i32
    %sub3A_32 = arith.subi %div3A, %sub3A : i32
    %select_n3A = arith.select %and3A, %sub3A_32, %div3A : i32
    %jit3A_33 = arith.constant 0 : i32
    %jit3A_34 = arith.constant 5 : i32
    %eq3A = arith.constant 0 : i32
    %eq3A_35 = arith.cmpi eq, %jit3A_34, %eq3A : i32
    %jit3A_36 = arith.constant 1 : i32
    %select_n3A_37 = arith.select %eq3A_35, %jit3A_36, %jit3A_34 : i32
    %rem3A_38 = arith.remsi %jit3A_33, %select_n3A_37 : i32
    %ne3A_39 = arith.constant 0 : i32
    %ne3A_40 = arith.cmpi ne, %rem3A_38, %ne3A_39 : i32
    %lt3A = arith.constant 0 : i32
    %lt3A_41 = arith.cmpi slt, %rem3A_38, %lt3A : i32
    %lt3A_42 = arith.constant 0 : i32
    %lt3A_43 = arith.cmpi slt, %select_n3A_37, %lt3A_42 : i32
    %ne3A_44 = arith.xori %lt3A_41, %lt3A_43 : i1
    %and3A_45 = arith.andi %ne3A_44, %ne3A_40 : i1
    %add3A_46 = arith.addi %rem3A_38, %select_n3A_37 : i32
    %select_n3A_47 = arith.select %and3A_45, %add3A_46, %rem3A_38 : i32
    %mul3A_48 = arith.constant 200 : i32
    %mul3A_49 = arith.muli %select_n3A_47, %mul3A_48 : i32
    %broadcast_in_dim3A_50 = arith.constant 1.000000e+00 : f32
    %broadcast_in_dim3A_51 = vector.broadcast %broadcast_in_dim3A_50 : f32 to vector<16xf32>
    %get3A = arith.index_cast %select_n3A : i32 to index
    %get3A_52 = arith.constant 0 : index
    %get3A_53 = tpu.vector_load %arg4[%get3A, %get3A_52] {strides = array<i32>} : memref<20x128xi32, #tpu.memory_space<vmem>>, vector<16xi32>,
    %sub3A_54 = vector.broadcast %mul3A_49 : i32 to vector<16xi32>
    %sub3A_55 = arith.subi %get3A_53, %sub3A_54 : vector<16xi32>
    %ge3A = arith.constant 0 : i32
    %ge3A_56 = vector.broadcast %ge3A : i32 to vector<16xi32>
    %ge3A_57 = arith.cmpi sge, %sub3A_55, %ge3A_56 : vector<16xi32>
    %lt3A_58 = arith.constant 200 : i32
    %lt3A_59 = vector.broadcast %lt3A_58 : i32 to vector<16xi32>
    %lt3A_60 = arith.cmpi slt, %sub3A_55, %lt3A_59 : vector<16xi32>
    %and3A_61 = arith.andi %ge3A_57, %lt3A_60 : vector<16xi1>
    %jit3A_62 = arith.constant 0 : i32
    %broadcast_in_dim3A_63 = vector.broadcast %jit3A_62 : i32 to vector<16xi32>
    %select_n3A_64 = arith.select %and3A_61, %sub3A_55, %broadcast_in_dim3A_63 : vector<16xi1>, vector<16xi32>
    %add3A_65 = arith.constant 0 : i32
    %add3A_66 = vector.broadcast %add3A_65 : i32 to vector<16xi32>
    %add3A_67 = arith.addi %iota3A, %add3A_66 : vector<16xi32>
    tpu.vector_store_idx %arg5[%select_n3A_64, %add3A_67], %broadcast_in_dim3A_51 masked %and3A_61 : memref<200x128xf32, #tpu.memory_space<vmem>>[vector<16xi32>, vector<16xi32>], vector<16xf32>, vector<16xi1>
    %get3A_68 = arith.index_cast %select_n3A : i32 to index
    %get3A_69 = arith.constant 16 : index
    %get3A_70 = tpu.vector_load %arg4[%get3A_68, %get3A_69] {strides = array<i32>} : memref<20x128xi32, #tpu.memory_space<vmem>>, vector<16xi32>,
    %sub3A_71 = vector.broadcast %mul3A_49 : i32 to vector<16xi32>
    %sub3A_72 = arith.subi %get3A_70, %sub3A_71 : vector<16xi32>
    %ge3A_73 = arith.constant 0 : i32
    %ge3A_74 = vector.broadcast %ge3A_73 : i32 to vector<16xi32>
    %ge3A_75 = arith.cmpi sge, %sub3A_72, %ge3A_74 : vector<16xi32>
    %lt3A_76 = arith.constant 200 : i32
    %lt3A_77 = vector.broadcast %lt3A_76 : i32 to vector<16xi32>
    %lt3A_78 = arith.cmpi slt, %sub3A_72, %lt3A_77 : vector<16xi32>
    %and3A_79 = arith.andi %ge3A_75, %lt3A_78 : vector<16xi1>
    %jit3A_80 = arith.constant 0 : i32
    %broadcast_in_dim3A_81 = vector.broadcast %jit3A_80 : i32 to vector<16xi32>
    %select_n3A_82 = arith.select %and3A_79, %sub3A_72, %broadcast_in_dim3A_81 : vector<16xi1>, vector<16xi32>
    %add3A_83 = arith.constant 16 : i32
    %add3A_84 = vector.broadcast %add3A_83 : i32 to vector<16xi32>
    %add3A_85 = arith.addi %iota3A, %add3A_84 : vector<16xi32>
    tpu.vector_store_idx %arg5[%select_n3A_82, %add3A_85], %broadcast_in_dim3A_51 masked %and3A_79 : memref<200x128xf32, #tpu.memory_space<vmem>>[vector<16xi32>, vector<16xi32>], vector<16xf32>, vector<16xi1>
    %get3A_86 = arith.index_cast %select_n3A : i32 to index
    %get3A_87 = arith.constant 32 : index
    %get3A_88 = tpu.vector_load %arg4[%get3A_86, %get3A_87] {strides = array<i32>} : memref<20x128xi32, #tpu.memory_space<vmem>>, vector<16xi32>,
    %sub3A_89 = vector.broadcast %mul3A_49 : i32 to vector<16xi32>
    %sub3A_90 = arith.subi %get3A_88, %sub3A_89 : vector<16xi32>
    %ge3A_91 = arith.constant 0 : i32
    %ge3A_92 = vector.broadcast %ge3A_91 : i32 to vector<16xi32>
    %ge3A_93 = arith.cmpi sge, %sub3A_90, %ge3A_92 : vector<16xi32>
    %lt3A_94 = arith.constant 200 : i32
    %lt3A_95 = vector.broadcast %lt3A_94 : i32 to vector<16xi32>
    %lt3A_96 = arith.cmpi slt, %sub3A_90, %lt3A_95 : vector<16xi32>
    %and3A_97 = arith.andi %ge3A_93, %lt3A_96 : vector<16xi1>
    %jit3A_98 = arith.constant 0 : i32
    %broadcast_in_dim3A_99 = vector.broadcast %jit3A_98 : i32 to vector<16xi32>
    %select_n3A_100 = arith.select %and3A_97, %sub3A_90, %broadcast_in_dim3A_99 : vector<16xi1>, vector<16xi32>
    %add3A_101 = arith.constant 32 : i32
    %add3A_102 = vector.broadcast %add3A_101 : i32 to vector<16xi32>
    %add3A_103 = arith.addi %iota3A, %add3A_102 : vector<16xi32>
    tpu.vector_store_idx %arg5[%select_n3A_100, %add3A_103], %broadcast_in_dim3A_51 masked %and3A_97 : memref<200x128xf32, #tpu.memory_space<vmem>>[vector<16xi32>, vector<16xi32>], vector<16xf32>, vector<16xi1>
    %get3A_104 = arith.index_cast %select_n3A : i32 to index
    %get3A_105 = arith.constant 48 : index
    %get3A_106 = tpu.vector_load %arg4[%get3A_104, %get3A_105] {strides = array<i32>} : memref<20x128xi32, #tpu.memory_space<vmem>>, vector<16xi32>,
    %sub3A_107 = vector.broadcast %mul3A_49 : i32 to vector<16xi32>
    %sub3A_108 = arith.subi %get3A_106, %sub3A_107 : vector<16xi32>
    %ge3A_109 = arith.constant 0 : i32
    %ge3A_110 = vector.broadcast %ge3A_109 : i32 to vector<16xi32>
    %ge3A_111 = arith.cmpi sge, %sub3A_108, %ge3A_110 : vector<16xi32>
    %lt3A_112 = arith.constant 200 : i32
    %lt3A_113 = vector.broadcast %lt3A_112 : i32 to vector<16xi32>
    %lt3A_114 = arith.cmpi slt, %sub3A_108, %lt3A_113 : vector<16xi32>
    %and3A_115 = arith.andi %ge3A_111, %lt3A_114 : vector<16xi1>
    %jit3A_116 = arith.constant 0 : i32
    %broadcast_in_dim3A_117 = vector.broadcast %jit3A_116 : i32 to vector<16xi32>
    %select_n3A_118 = arith.select %and3A_115, %sub3A_108, %broadcast_in_dim3A_117 : vector<16xi1>, vector<16xi32>
    %add3A_119 = arith.constant 48 : i32
    %add3A_120 = vector.broadcast %add3A_119 : i32 to vector<16xi32>
    %add3A_121 = arith.addi %iota3A, %add3A_120 : vector<16xi32>
    tpu.vector_store_idx %arg5[%select_n3A_118, %add3A_121], %broadcast_in_dim3A_51 masked %and3A_115 : memref<200x128xf32, #tpu.memory_space<vmem>>[vector<16xi32>, vector<16xi32>], vector<16xf32>, vector<16xi1>
    %get3A_122 = arith.index_cast %select_n3A : i32 to index
    %get3A_123 = arith.constant 64 : index
    %get3A_124 = tpu.vector_load %arg4[%get3A_122, %get3A_123] {strides = array<i32>} : memref<20x128xi32, #tpu.memory_space<vmem>>, vector<16xi32>,
    %sub3A_125 = vector.broadcast %mul3A_49 : i32 to vector<16xi32>
    %sub3A_126 = arith.subi %get3A_124, %sub3A_125 : vector<16xi32>
    %ge3A_127 = arith.constant 0 : i32
    %ge3A_128 = vector.broadcast %ge3A_127 : i32 to vector<16xi32>
    %ge3A_129 = arith.cmpi sge, %sub3A_126, %ge3A_128 : vector<16xi32>
    %lt3A_130 = arith.constant 200 : i32
    %lt3A_131 = vector.broadcast %lt3A_130 : i32 to vector<16xi32>
    %lt3A_132 = arith.cmpi slt, %sub3A_126, %lt3A_131 : vector<16xi32>
    %and3A_133 = arith.andi %ge3A_129, %lt3A_132 : vector<16xi1>
    %jit3A_134 = arith.constant 0 : i32
    %broadcast_in_dim3A_135 = vector.broadcast %jit3A_134 : i32 to vector<16xi32>
    %select_n3A_136 = arith.select %and3A_133, %sub3A_126, %broadcast_in_dim3A_135 : vector<16xi1>, vector<16xi32>
    %add3A_137 = arith.constant 64 : i32
    %add3A_138 = vector.broadcast %add3A_137 : i32 to vector<16xi32>
    %add3A_139 = arith.addi %iota3A, %add3A_138 : vector<16xi32>
    tpu.vector_store_idx %arg5[%select_n3A_136, %add3A_139], %broadcast_in_dim3A_51 masked %and3A_133 : memref<200x128xf32, #tpu.memory_space<vmem>>[vector<16xi32>, vector<16xi32>], vector<16xf32>, vector<16xi1>
    %get3A_140 = arith.index_cast %select_n3A : i32 to index
    %get3A_141 = arith.constant 80 : index
    %get3A_142 = tpu.vector_load %arg4[%get3A_140, %get3A_141] {strides = array<i32>} : memref<20x128xi32, #tpu.memory_space<vmem>>, vector<16xi32>,
    %sub3A_143 = vector.broadcast %mul3A_49 : i32 to vector<16xi32>
    %sub3A_144 = arith.subi %get3A_142, %sub3A_143 : vector<16xi32>
    %ge3A_145 = arith.constant 0 : i32
    %ge3A_146 = vector.broadcast %ge3A_145 : i32 to vector<16xi32>
    %ge3A_147 = arith.cmpi sge, %sub3A_144, %ge3A_146 : vector<16xi32>
    %lt3A_148 = arith.constant 200 : i32
    %lt3A_149 = vector.broadcast %lt3A_148 : i32 to vector<16xi32>
    %lt3A_150 = arith.cmpi slt, %sub3A_144, %lt3A_149 : vector<16xi32>
    %and3A_151 = arith.andi %ge3A_147, %lt3A_150 : vector<16xi1>
    %jit3A_152 = arith.constant 0 : i32
    %broadcast_in_dim3A_153 = vector.broadcast %jit3A_152 : i32 to vector<16xi32>
    %select_n3A_154 = arith.select %and3A_151, %sub3A_144, %broadcast_in_dim3A_153 : vector<16xi1>, vector<16xi32>
    %add3A_155 = arith.constant 80 : i32
    %add3A_156 = vector.broadcast %add3A_155 : i32 to vector<16xi32>
    %add3A_157 = arith.addi %iota3A, %add3A_156 : vector<16xi32>
    tpu.vector_store_idx %arg5[%select_n3A_154, %add3A_157], %broadcast_in_dim3A_51 masked %and3A_151 : memref<200x128xf32, #tpu.memory_space<vmem>>[vector<16xi32>, vector<16xi32>], vector<16xf32>, vector<16xi1>
    %get3A_158 = arith.index_cast %select_n3A : i32 to index
    %get3A_159 = arith.constant 96 : index
    %get3A_160 = tpu.vector_load %arg4[%get3A_158, %get3A_159] {strides = array<i32>} : memref<20x128xi32, #tpu.memory_space<vmem>>, vector<16xi32>,
    %sub3A_161 = vector.broadcast %mul3A_49 : i32 to vector<16xi32>
    %sub3A_162 = arith.subi %get3A_160, %sub3A_161 : vector<16xi32>
    %ge3A_163 = arith.constant 0 : i32
    %ge3A_164 = vector.broadcast %ge3A_163 : i32 to vector<16xi32>
    %ge3A_165 = arith.cmpi sge, %sub3A_162, %ge3A_164 : vector<16xi32>
    %lt3A_166 = arith.constant 200 : i32
    %lt3A_167 = vector.broadcast %lt3A_166 : i32 to vector<16xi32>
    %lt3A_168 = arith.cmpi slt, %sub3A_162, %lt3A_167 : vector<16xi32>
    %and3A_169 = arith.andi %ge3A_165, %lt3A_168 : vector<16xi1>
    %jit3A_170 = arith.constant 0 : i32
    %broadcast_in_dim3A_171 = vector.broadcast %jit3A_170 : i32 to vector<16xi32>
    %select_n3A_172 = arith.select %and3A_169, %sub3A_162, %broadcast_in_dim3A_171 : vector<16xi1>, vector<16xi32>
    %add3A_173 = arith.constant 96 : i32
    %add3A_174 = vector.broadcast %add3A_173 : i32 to vector<16xi32>
    %add3A_175 = arith.addi %iota3A, %add3A_174 : vector<16xi32>
    tpu.vector_store_idx %arg5[%select_n3A_172, %add3A_175], %broadcast_in_dim3A_51 masked %and3A_169 : memref<200x128xf32, #tpu.memory_space<vmem>>[vector<16xi32>, vector<16xi32>], vector<16xf32>, vector<16xi1>
    %get3A_176 = arith.index_cast %select_n3A : i32 to index
    %get3A_177 = arith.constant 112 : index
    %get3A_178 = tpu.vector_load %arg4[%get3A_176, %get3A_177] {strides = array<i32>} : memref<20x128xi32, #tpu.memory_space<vmem>>, vector<16xi32>,
    %sub3A_179 = vector.broadcast %mul3A_49 : i32 to vector<16xi32>
    %sub3A_180 = arith.subi %get3A_178, %sub3A_179 : vector<16xi32>
    %ge3A_181 = arith.constant 0 : i32
    %ge3A_182 = vector.broadcast %ge3A_181 : i32 to vector<16xi32>
    %ge3A_183 = arith.cmpi sge, %sub3A_180, %ge3A_182 : vector<16xi32>
    %lt3A_184 = arith.constant 200 : i32
    %lt3A_185 = vector.broadcast %lt3A_184 : i32 to vector<16xi32>
    %lt3A_186 = arith.cmpi slt, %sub3A_180, %lt3A_185 : vector<16xi32>
    %and3A_187 = arith.andi %ge3A_183, %lt3A_186 : vector<16xi1>
    %jit3A_188 = arith.constant 0 : i32
    %broadcast_in_dim3A_189 = vector.broadcast %jit3A_188 : i32 to vector<16xi32>
    %select_n3A_190 = arith.select %and3A_187, %sub3A_180, %broadcast_in_dim3A_189 : vector<16xi1>, vector<16xi32>
    %add3A_191 = arith.constant 112 : i32
    %add3A_192 = vector.broadcast %add3A_191 : i32 to vector<16xi32>
    %add3A_193 = arith.addi %iota3A, %add3A_192 : vector<16xi32>
    tpu.vector_store_idx %arg5[%select_n3A_190, %add3A_193], %broadcast_in_dim3A_51 masked %and3A_187 : memref<200x128xf32, #tpu.memory_space<vmem>>[vector<16xi32>, vector<16xi32>], vector<16xf32>, vector<16xi1>
    %jit3A_194 = arith.constant 0 : i32
    %jit3A_195 = arith.constant 5 : i32
    %div3A_196 = arith.divsi %jit3A_194, %jit3A_195 : i32
    %sign3A_197 = arith.constant 0 : i32
    %sign3A_198 = arith.cmpi sgt, %jit3A_194, %sign3A_197 : i32
    %sign3A_199 = arith.extui %sign3A_198 : i1 to i32
    %sign3A_200 = arith.constant 0 : i32
    %sign3A_201 = arith.cmpi slt, %jit3A_194, %sign3A_200 : i32
    %sign3A_202 = arith.extui %sign3A_201 : i1 to i32
    %sign3A_203 = arith.subi %sign3A_199, %sign3A_202 : i32
    %sign3A_204 = arith.constant 0 : i32
    %sign3A_205 = arith.cmpi sgt, %jit3A_195, %sign3A_204 : i32
    %sign3A_206 = arith.extui %sign3A_205 : i1 to i32
    %sign3A_207 = arith.constant 0 : i32
    %sign3A_208 = arith.cmpi slt, %jit3A_195, %sign3A_207 : i32
    %sign3A_209 = arith.extui %sign3A_208 : i1 to i32
    %sign3A_210 = arith.subi %sign3A_206, %sign3A_209 : i32
    %ne3A_211 = arith.cmpi ne, %sign3A_203, %sign3A_210 : i32
    %rem3A_212 = arith.remsi %jit3A_194, %jit3A_195 : i32
    %ne3A_213 = arith.constant 0 : i32
    %ne3A_214 = arith.cmpi ne, %rem3A_212, %ne3A_213 : i32
    %and3A_215 = arith.andi %ne3A_211, %ne3A_214 : i1
    %sub3A_216 = arith.constant 1 : i32
    %sub3A_217 = arith.subi %div3A_196, %sub3A_216 : i32
    %select_n3A_218 = arith.select %and3A_215, %sub3A_217, %div3A_196 : i32
    %jit3A_219 = arith.constant 0 : i32
    %jit3A_220 = arith.constant 5 : i32
    %eq3A_221 = arith.constant 0 : i32
    %eq3A_222 = arith.cmpi eq, %jit3A_220, %eq3A_221 : i32
    %jit3A_223 = arith.constant 1 : i32
    %select_n3A_224 = arith.select %eq3A_222, %jit3A_223, %jit3A_220 : i32
    %rem3A_225 = arith.remsi %jit3A_219, %select_n3A_224 : i32
    %ne3A_226 = arith.constant 0 : i32
    %ne3A_227 = arith.cmpi ne, %rem3A_225, %ne3A_226 : i32
    %lt3A_228 = arith.constant 0 : i32
    %lt3A_229 = arith.cmpi slt, %rem3A_225, %lt3A_228 : i32
    %lt3A_230 = arith.constant 0 : i32
    %lt3A_231 = arith.cmpi slt, %select_n3A_224, %lt3A_230 : i32
    %ne3A_232 = arith.xori %lt3A_229, %lt3A_231 : i1
    %and3A_233 = arith.andi %ne3A_232, %ne3A_227 : i1
    %add3A_234 = arith.addi %rem3A_225, %select_n3A_224 : i32
    %select_n3A_235 = arith.select %and3A_233, %add3A_234, %rem3A_225 : i32
    %mul3A_236 = arith.constant 200 : i32
    %mul3A_237 = arith.muli %select_n3A_235, %mul3A_236 : i32
    %dma_start3A_238 = tpu.memref_slice %arg3[%select_n3A_218, %mul3A_237, %mul3A_2] : memref<20x1000x4096xf32, #tpu.memory_space<hbm>> -> memref<1x200x128xf32, #tpu.memory_space<hbm>>
    %dma_start3A_239 = tpu.memref_squeeze %dma_start3A_238 : memref<1x200x128xf32, #tpu.memory_space<hbm>> -> memref<200x128xf32, #tpu.memory_space<hbm>>
    %dma_start3A_240 = tpu.memref_slice %arg3[%select_n3A_218, %mul3A_237, %mul3A_2] : memref<20x1000x4096xf32, #tpu.memory_space<hbm>> -> memref<1x200x128xf32, #tpu.memory_space<hbm>>
    %dma_start3A_241 = tpu.memref_squeeze %dma_start3A_240 : memref<1x200x128xf32, #tpu.memory_space<hbm>> -> memref<200x128xf32, #tpu.memory_space<hbm>>
    tpu.enqueue_dma source(%arg5 : memref<200x128xf32, #tpu.memory_space<vmem>>) target(%dma_start3A_241 : memref<200x128xf32, #tpu.memory_space<hbm>>) target_semaphore(%arg7 : memref<!tpu.dma_semaphore, #tpu.memory_space<semaphore_mem>>)
    %scan3A_242 = arith.constant 0 : i32
    %scan3A_243 = arith.constant 0 : i32
    %scan3A_244 = arith.constant 200 : i32
    %scan3A_245 = arith.addi %scan3A_243, %scan3A_244 : i32
    %scan3A_246 = arith.constant 1 : i32
    %scan3A_247 = scf.for %scan3A_590 = %scan3A_243 to %scan3A_245 step %scan3A_246 iter_args(%scan3A_591 = %scan3A_242) -> (i32)  : i32 {
      %swap3A = arith.index_cast %scan3A_590 : i32 to index
      %swap3A_592 = arith.constant 0 : index
      %swap3A_593 = tpu.vector_load %arg6[%swap3A, %swap3A_592] {strides = array<i32>} : memref<200x128xf32, #tpu.memory_space<vmem>>, vector<16xf32>,
      tpu.vector_store %arg6[%swap3A, %swap3A_592], %broadcast_in_dim3A_6 {strides = array<i32>} : memref<200x128xf32, #tpu.memory_space<vmem>>, vector<16xf32>,
      %swap3A_594 = arith.index_cast %scan3A_590 : i32 to index
      %swap3A_595 = arith.constant 16 : index
      %swap3A_596 = tpu.vector_load %arg6[%swap3A_594, %swap3A_595] {strides = array<i32>} : memref<200x128xf32, #tpu.memory_space<vmem>>, vector<16xf32>,
      tpu.vector_store %arg6[%swap3A_594, %swap3A_595], %broadcast_in_dim3A_6 {strides = array<i32>} : memref<200x128xf32, #tpu.memory_space<vmem>>, vector<16xf32>,
      %swap3A_597 = arith.index_cast %scan3A_590 : i32 to index
      %swap3A_598 = arith.constant 32 : index
      %swap3A_599 = tpu.vector_load %arg6[%swap3A_597, %swap3A_598] {strides = array<i32>} : memref<200x128xf32, #tpu.memory_space<vmem>>, vector<16xf32>,
      tpu.vector_store %arg6[%swap3A_597, %swap3A_598], %broadcast_in_dim3A_6 {strides = array<i32>} : memref<200x128xf32, #tpu.memory_space<vmem>>, vector<16xf32>,
      %swap3A_600 = arith.index_cast %scan3A_590 : i32 to index
      %swap3A_601 = arith.constant 48 : index
      %swap3A_602 = tpu.vector_load %arg6[%swap3A_600, %swap3A_601] {strides = array<i32>} : memref<200x128xf32, #tpu.memory_space<vmem>>, vector<16xf32>,
      tpu.vector_store %arg6[%swap3A_600, %swap3A_601], %broadcast_in_dim3A_6 {strides = array<i32>} : memref<200x128xf32, #tpu.memory_space<vmem>>, vector<16xf32>,
      %swap3A_603 = arith.index_cast %scan3A_590 : i32 to index
      %swap3A_604 = arith.constant 64 : index
      %swap3A_605 = tpu.vector_load %arg6[%swap3A_603, %swap3A_604] {strides = array<i32>} : memref<200x128xf32, #tpu.memory_space<vmem>>, vector<16xf32>,
      tpu.vector_store %arg6[%swap3A_603, %swap3A_604], %broadcast_in_dim3A_6 {strides = array<i32>} : memref<200x128xf32, #tpu.memory_space<vmem>>, vector<16xf32>,
      %swap3A_606 = arith.index_cast %scan3A_590 : i32 to index
      %swap3A_607 = arith.constant 80 : index
      %swap3A_608 = tpu.vector_load %arg6[%swap3A_606, %swap3A_607] {strides = array<i32>} : memref<200x128xf32, #tpu.memory_space<vmem>>, vector<16xf32>,
      tpu.vector_store %arg6[%swap3A_606, %swap3A_607], %broadcast_in_dim3A_6 {strides = array<i32>} : memref<200x128xf32, #tpu.memory_space<vmem>>, vector<16xf32>,
      %swap3A_609 = arith.index_cast %scan3A_590 : i32 to index
      %swap3A_610 = arith.constant 96 : index
      %swap3A_611 = tpu.vector_load %arg6[%swap3A_609, %swap3A_610] {strides = array<i32>} : memref<200x128xf32, #tpu.memory_space<vmem>>, vector<16xf32>,
      tpu.vector_store %arg6[%swap3A_609, %swap3A_610], %broadcast_in_dim3A_6 {strides = array<i32>} : memref<200x128xf32, #tpu.memory_space<vmem>>, vector<16xf32>,
      %swap3A_612 = arith.index_cast %scan3A_590 : i32 to index
      %swap3A_613 = arith.constant 112 : index
      %swap3A_614 = tpu.vector_load %arg6[%swap3A_612, %swap3A_613] {strides = array<i32>} : memref<200x128xf32, #tpu.memory_space<vmem>>, vector<16xf32>,
      tpu.vector_store %arg6[%swap3A_612, %swap3A_613], %broadcast_in_dim3A_6 {strides = array<i32>} : memref<200x128xf32, #tpu.memory_space<vmem>>, vector<16xf32>,
      %scan3A_615 = arith.constant 0 : i32
      scf.yield %scan3A_615 : i32
    }
    %scan3A_248 = arith.constant 200 : i32
    %jit3A_249 = arith.constant 1 : i32
    %jit3A_250 = arith.constant 5 : i32
    %div3A_251 = arith.divsi %jit3A_249, %jit3A_250 : i32
    %sign3A_252 = arith.constant 0 : i32
    %sign3A_253 = arith.cmpi sgt, %jit3A_249, %sign3A_252 : i32
    %sign3A_254 = arith.extui %sign3A_253 : i1 to i32
    %sign3A_255 = arith.constant 0 : i32
    %sign3A_256 = arith.cmpi slt, %jit3A_249, %sign3A_255 : i32
    %sign3A_257 = arith.extui %sign3A_256 : i1 to i32
    %sign3A_258 = arith.subi %sign3A_254, %sign3A_257 : i32
    %sign3A_259 = arith.constant 0 : i32
    %sign3A_260 = arith.cmpi sgt, %jit3A_250, %sign3A_259 : i32
    %sign3A_261 = arith.extui %sign3A_260 : i1 to i32
    %sign3A_262 = arith.constant 0 : i32
    %sign3A_263 = arith.cmpi slt, %jit3A_250, %sign3A_262 : i32
    %sign3A_264 = arith.extui %sign3A_263 : i1 to i32
    %sign3A_265 = arith.subi %sign3A_261, %sign3A_264 : i32
    %ne3A_266 = arith.cmpi ne, %sign3A_258, %sign3A_265 : i32
    %rem3A_267 = arith.remsi %jit3A_249, %jit3A_250 : i32
    %ne3A_268 = arith.constant 0 : i32
    %ne3A_269 = arith.cmpi ne, %rem3A_267, %ne3A_268 : i32
    %and3A_270 = arith.andi %ne3A_266, %ne3A_269 : i1
    %sub3A_271 = arith.constant 1 : i32
    %sub3A_272 = arith.subi %div3A_251, %sub3A_271 : i32
    %select_n3A_273 = arith.select %and3A_270, %sub3A_272, %div3A_251 : i32
    %jit3A_274 = arith.constant 1 : i32
    %jit3A_275 = arith.constant 5 : i32
    %eq3A_276 = arith.constant 0 : i32
    %eq3A_277 = arith.cmpi eq, %jit3A_275, %eq3A_276 : i32
    %jit3A_278 = arith.constant 1 : i32
    %select_n3A_279 = arith.select %eq3A_277, %jit3A_278, %jit3A_275 : i32
    %rem3A_280 = arith.remsi %jit3A_274, %select_n3A_279 : i32
    %ne3A_281 = arith.constant 0 : i32
    %ne3A_282 = arith.cmpi ne, %rem3A_280, %ne3A_281 : i32
    %lt3A_283 = arith.constant 0 : i32
    %lt3A_284 = arith.cmpi slt, %rem3A_280, %lt3A_283 : i32
    %lt3A_285 = arith.constant 0 : i32
    %lt3A_286 = arith.cmpi slt, %select_n3A_279, %lt3A_285 : i32
    %ne3A_287 = arith.xori %lt3A_284, %lt3A_286 : i1
    %and3A_288 = arith.andi %ne3A_287, %ne3A_282 : i1
    %add3A_289 = arith.addi %rem3A_280, %select_n3A_279 : i32
    %select_n3A_290 = arith.select %and3A_288, %add3A_289, %rem3A_280 : i32
    %mul3A_291 = arith.constant 200 : i32
    %mul3A_292 = arith.muli %select_n3A_290, %mul3A_291 : i32
    %broadcast_in_dim3A_293 = arith.constant 1.000000e+00 : f32
    %broadcast_in_dim3A_294 = vector.broadcast %broadcast_in_dim3A_293 : f32 to vector<16xf32>
    %get3A_295 = arith.index_cast %select_n3A_273 : i32 to index
    %get3A_296 = arith.constant 0 : index
    %get3A_297 = tpu.vector_load %arg4[%get3A_295, %get3A_296] {strides = array<i32>} : memref<20x128xi32, #tpu.memory_space<vmem>>, vector<16xi32>,
    %sub3A_298 = vector.broadcast %mul3A_292 : i32 to vector<16xi32>
    %sub3A_299 = arith.subi %get3A_297, %sub3A_298 : vector<16xi32>
    %ge3A_300 = arith.constant 0 : i32
    %ge3A_301 = vector.broadcast %ge3A_300 : i32 to vector<16xi32>
    %ge3A_302 = arith.cmpi sge, %sub3A_299, %ge3A_301 : vector<16xi32>
    %lt3A_303 = arith.constant 200 : i32
    %lt3A_304 = vector.broadcast %lt3A_303 : i32 to vector<16xi32>
    %lt3A_305 = arith.cmpi slt, %sub3A_299, %lt3A_304 : vector<16xi32>
    %and3A_306 = arith.andi %ge3A_302, %lt3A_305 : vector<16xi1>
    %jit3A_307 = arith.constant 0 : i32
    %broadcast_in_dim3A_308 = vector.broadcast %jit3A_307 : i32 to vector<16xi32>
    %select_n3A_309 = arith.select %and3A_306, %sub3A_299, %broadcast_in_dim3A_308 : vector<16xi1>, vector<16xi32>
    %add3A_310 = arith.constant 0 : i32
    %add3A_311 = vector.broadcast %add3A_310 : i32 to vector<16xi32>
    %add3A_312 = arith.addi %iota3A, %add3A_311 : vector<16xi32>
    tpu.vector_store_idx %arg6[%select_n3A_309, %add3A_312], %broadcast_in_dim3A_294 masked %and3A_306 : memref<200x128xf32, #tpu.memory_space<vmem>>[vector<16xi32>, vector<16xi32>], vector<16xf32>, vector<16xi1>
    %get3A_313 = arith.index_cast %select_n3A_273 : i32 to index
    %get3A_314 = arith.constant 16 : index
    %get3A_315 = tpu.vector_load %arg4[%get3A_313, %get3A_314] {strides = array<i32>} : memref<20x128xi32, #tpu.memory_space<vmem>>, vector<16xi32>,
    %sub3A_316 = vector.broadcast %mul3A_292 : i32 to vector<16xi32>
    %sub3A_317 = arith.subi %get3A_315, %sub3A_316 : vector<16xi32>
    %ge3A_318 = arith.constant 0 : i32
    %ge3A_319 = vector.broadcast %ge3A_318 : i32 to vector<16xi32>
    %ge3A_320 = arith.cmpi sge, %sub3A_317, %ge3A_319 : vector<16xi32>
    %lt3A_321 = arith.constant 200 : i32
    %lt3A_322 = vector.broadcast %lt3A_321 : i32 to vector<16xi32>
    %lt3A_323 = arith.cmpi slt, %sub3A_317, %lt3A_322 : vector<16xi32>
    %and3A_324 = arith.andi %ge3A_320, %lt3A_323 : vector<16xi1>
    %jit3A_325 = arith.constant 0 : i32
    %broadcast_in_dim3A_326 = vector.broadcast %jit3A_325 : i32 to vector<16xi32>
    %select_n3A_327 = arith.select %and3A_324, %sub3A_317, %broadcast_in_dim3A_326 : vector<16xi1>, vector<16xi32>
    %add3A_328 = arith.constant 16 : i32
    %add3A_329 = vector.broadcast %add3A_328 : i32 to vector<16xi32>
    %add3A_330 = arith.addi %iota3A, %add3A_329 : vector<16xi32>
    tpu.vector_store_idx %arg6[%select_n3A_327, %add3A_330], %broadcast_in_dim3A_294 masked %and3A_324 : memref<200x128xf32, #tpu.memory_space<vmem>>[vector<16xi32>, vector<16xi32>], vector<16xf32>, vector<16xi1>
    %get3A_331 = arith.index_cast %select_n3A_273 : i32 to index
    %get3A_332 = arith.constant 32 : index
    %get3A_333 = tpu.vector_load %arg4[%get3A_331, %get3A_332] {strides = array<i32>} : memref<20x128xi32, #tpu.memory_space<vmem>>, vector<16xi32>,
    %sub3A_334 = vector.broadcast %mul3A_292 : i32 to vector<16xi32>
    %sub3A_335 = arith.subi %get3A_333, %sub3A_334 : vector<16xi32>
    %ge3A_336 = arith.constant 0 : i32
    %ge3A_337 = vector.broadcast %ge3A_336 : i32 to vector<16xi32>
    %ge3A_338 = arith.cmpi sge, %sub3A_335, %ge3A_337 : vector<16xi32>
    %lt3A_339 = arith.constant 200 : i32
    %lt3A_340 = vector.broadcast %lt3A_339 : i32 to vector<16xi32>
    %lt3A_341 = arith.cmpi slt, %sub3A_335, %lt3A_340 : vector<16xi32>
    %and3A_342 = arith.andi %ge3A_338, %lt3A_341 : vector<16xi1>
    %jit3A_343 = arith.constant 0 : i32
    %broadcast_in_dim3A_344 = vector.broadcast %jit3A_343 : i32 to vector<16xi32>
    %select_n3A_345 = arith.select %and3A_342, %sub3A_335, %broadcast_in_dim3A_344 : vector<16xi1>, vector<16xi32>
    %add3A_346 = arith.constant 32 : i32
    %add3A_347 = vector.broadcast %add3A_346 : i32 to vector<16xi32>
    %add3A_348 = arith.addi %iota3A, %add3A_347 : vector<16xi32>
    tpu.vector_store_idx %arg6[%select_n3A_345, %add3A_348], %broadcast_in_dim3A_294 masked %and3A_342 : memref<200x128xf32, #tpu.memory_space<vmem>>[vector<16xi32>, vector<16xi32>], vector<16xf32>, vector<16xi1>
    %get3A_349 = arith.index_cast %select_n3A_273 : i32 to index
    %get3A_350 = arith.constant 48 : index
    %get3A_351 = tpu.vector_load %arg4[%get3A_349, %get3A_350] {strides = array<i32>} : memref<20x128xi32, #tpu.memory_space<vmem>>, vector<16xi32>,
    %sub3A_352 = vector.broadcast %mul3A_292 : i32 to vector<16xi32>
    %sub3A_353 = arith.subi %get3A_351, %sub3A_352 : vector<16xi32>
    %ge3A_354 = arith.constant 0 : i32
    %ge3A_355 = vector.broadcast %ge3A_354 : i32 to vector<16xi32>
    %ge3A_356 = arith.cmpi sge, %sub3A_353, %ge3A_355 : vector<16xi32>
    %lt3A_357 = arith.constant 200 : i32
    %lt3A_358 = vector.broadcast %lt3A_357 : i32 to vector<16xi32>
    %lt3A_359 = arith.cmpi slt, %sub3A_353, %lt3A_358 : vector<16xi32>
    %and3A_360 = arith.andi %ge3A_356, %lt3A_359 : vector<16xi1>
    %jit3A_361 = arith.constant 0 : i32
    %broadcast_in_dim3A_362 = vector.broadcast %jit3A_361 : i32 to vector<16xi32>
    %select_n3A_363 = arith.select %and3A_360, %sub3A_353, %broadcast_in_dim3A_362 : vector<16xi1>, vector<16xi32>
    %add3A_364 = arith.constant 48 : i32
    %add3A_365 = vector.broadcast %add3A_364 : i32 to vector<16xi32>
    %add3A_366 = arith.addi %iota3A, %add3A_365 : vector<16xi32>
    tpu.vector_store_idx %arg6[%select_n3A_363, %add3A_366], %broadcast_in_dim3A_294 masked %and3A_360 : memref<200x128xf32, #tpu.memory_space<vmem>>[vector<16xi32>, vector<16xi32>], vector<16xf32>, vector<16xi1>
    %get3A_367 = arith.index_cast %select_n3A_273 : i32 to index
    %get3A_368 = arith.constant 64 : index
    %get3A_369 = tpu.vector_load %arg4[%get3A_367, %get3A_368] {strides = array<i32>} : memref<20x128xi32, #tpu.memory_space<vmem>>, vector<16xi32>,
    %sub3A_370 = vector.broadcast %mul3A_292 : i32 to vector<16xi32>
    %sub3A_371 = arith.subi %get3A_369, %sub3A_370 : vector<16xi32>
    %ge3A_372 = arith.constant 0 : i32
    %ge3A_373 = vector.broadcast %ge3A_372 : i32 to vector<16xi32>
    %ge3A_374 = arith.cmpi sge, %sub3A_371, %ge3A_373 : vector<16xi32>
    %lt3A_375 = arith.constant 200 : i32
    %lt3A_376 = vector.broadcast %lt3A_375 : i32 to vector<16xi32>
    %lt3A_377 = arith.cmpi slt, %sub3A_371, %lt3A_376 : vector<16xi32>
    %and3A_378 = arith.andi %ge3A_374, %lt3A_377 : vector<16xi1>
    %jit3A_379 = arith.constant 0 : i32
    %broadcast_in_dim3A_380 = vector.broadcast %jit3A_379 : i32 to vector<16xi32>
    %select_n3A_381 = arith.select %and3A_378, %sub3A_371, %broadcast_in_dim3A_380 : vector<16xi1>, vector<16xi32>
    %add3A_382 = arith.constant 64 : i32
    %add3A_383 = vector.broadcast %add3A_382 : i32 to vector<16xi32>
    %add3A_384 = arith.addi %iota3A, %add3A_383 : vector<16xi32>
    tpu.vector_store_idx %arg6[%select_n3A_381, %add3A_384], %broadcast_in_dim3A_294 masked %and3A_378 : memref<200x128xf32, #tpu.memory_space<vmem>>[vector<16xi32>, vector<16xi32>], vector<16xf32>, vector<16xi1>
    %get3A_385 = arith.index_cast %select_n3A_273 : i32 to index
    %get3A_386 = arith.constant 80 : index
    %get3A_387 = tpu.vector_load %arg4[%get3A_385, %get3A_386] {strides = array<i32>} : memref<20x128xi32, #tpu.memory_space<vmem>>, vector<16xi32>,
    %sub3A_388 = vector.broadcast %mul3A_292 : i32 to vector<16xi32>
    %sub3A_389 = arith.subi %get3A_387, %sub3A_388 : vector<16xi32>
    %ge3A_390 = arith.constant 0 : i32
    %ge3A_391 = vector.broadcast %ge3A_390 : i32 to vector<16xi32>
    %ge3A_392 = arith.cmpi sge, %sub3A_389, %ge3A_391 : vector<16xi32>
    %lt3A_393 = arith.constant 200 : i32
    %lt3A_394 = vector.broadcast %lt3A_393 : i32 to vector<16xi32>
    %lt3A_395 = arith.cmpi slt, %sub3A_389, %lt3A_394 : vector<16xi32>
    %and3A_396 = arith.andi %ge3A_392, %lt3A_395 : vector<16xi1>
    %jit3A_397 = arith.constant 0 : i32
    %broadcast_in_dim3A_398 = vector.broadcast %jit3A_397 : i32 to vector<16xi32>
    %select_n3A_399 = arith.select %and3A_396, %sub3A_389, %broadcast_in_dim3A_398 : vector<16xi1>, vector<16xi32>
    %add3A_400 = arith.constant 80 : i32
    %add3A_401 = vector.broadcast %add3A_400 : i32 to vector<16xi32>
    %add3A_402 = arith.addi %iota3A, %add3A_401 : vector<16xi32>
    tpu.vector_store_idx %arg6[%select_n3A_399, %add3A_402], %broadcast_in_dim3A_294 masked %and3A_396 : memref<200x128xf32, #tpu.memory_space<vmem>>[vector<16xi32>, vector<16xi32>], vector<16xf32>, vector<16xi1>
    %get3A_403 = arith.index_cast %select_n3A_273 : i32 to index
    %get3A_404 = arith.constant 96 : index
    %get3A_405 = tpu.vector_load %arg4[%get3A_403, %get3A_404] {strides = array<i32>} : memref<20x128xi32, #tpu.memory_space<vmem>>, vector<16xi32>,
    %sub3A_406 = vector.broadcast %mul3A_292 : i32 to vector<16xi32>
    %sub3A_407 = arith.subi %get3A_405, %sub3A_406 : vector<16xi32>
    %ge3A_408 = arith.constant 0 : i32
    %ge3A_409 = vector.broadcast %ge3A_408 : i32 to vector<16xi32>
    %ge3A_410 = arith.cmpi sge, %sub3A_407, %ge3A_409 : vector<16xi32>
    %lt3A_411 = arith.constant 200 : i32
    %lt3A_412 = vector.broadcast %lt3A_411 : i32 to vector<16xi32>
    %lt3A_413 = arith.cmpi slt, %sub3A_407, %lt3A_412 : vector<16xi32>
    %and3A_414 = arith.andi %ge3A_410, %lt3A_413 : vector<16xi1>
    %jit3A_415 = arith.constant 0 : i32
    %broadcast_in_dim3A_416 = vector.broadcast %jit3A_415 : i32 to vector<16xi32>
    %select_n3A_417 = arith.select %and3A_414, %sub3A_407, %broadcast_in_dim3A_416 : vector<16xi1>, vector<16xi32>
    %add3A_418 = arith.constant 96 : i32
    %add3A_419 = vector.broadcast %add3A_418 : i32 to vector<16xi32>
    %add3A_420 = arith.addi %iota3A, %add3A_419 : vector<16xi32>
    tpu.vector_store_idx %arg6[%select_n3A_417, %add3A_420], %broadcast_in_dim3A_294 masked %and3A_414 : memref<200x128xf32, #tpu.memory_space<vmem>>[vector<16xi32>, vector<16xi32>], vector<16xf32>, vector<16xi1>
    %get3A_421 = arith.index_cast %select_n3A_273 : i32 to index
    %get3A_422 = arith.constant 112 : index
    %get3A_423 = tpu.vector_load %arg4[%get3A_421, %get3A_422] {strides = array<i32>} : memref<20x128xi32, #tpu.memory_space<vmem>>, vector<16xi32>,
    %sub3A_424 = vector.broadcast %mul3A_292 : i32 to vector<16xi32>
    %sub3A_425 = arith.subi %get3A_423, %sub3A_424 : vector<16xi32>
    %ge3A_426 = arith.constant 0 : i32
    %ge3A_427 = vector.broadcast %ge3A_426 : i32 to vector<16xi32>
    %ge3A_428 = arith.cmpi sge, %sub3A_425, %ge3A_427 : vector<16xi32>
    %lt3A_429 = arith.constant 200 : i32
    %lt3A_430 = vector.broadcast %lt3A_429 : i32 to vector<16xi32>
    %lt3A_431 = arith.cmpi slt, %sub3A_425, %lt3A_430 : vector<16xi32>
    %and3A_432 = arith.andi %ge3A_428, %lt3A_431 : vector<16xi1>
    %jit3A_433 = arith.constant 0 : i32
    %broadcast_in_dim3A_434 = vector.broadcast %jit3A_433 : i32 to vector<16xi32>
    %select_n3A_435 = arith.select %and3A_432, %sub3A_425, %broadcast_in_dim3A_434 : vector<16xi1>, vector<16xi32>
    %add3A_436 = arith.constant 112 : i32
    %add3A_437 = vector.broadcast %add3A_436 : i32 to vector<16xi32>
    %add3A_438 = arith.addi %iota3A, %add3A_437 : vector<16xi32>
    tpu.vector_store_idx %arg6[%select_n3A_435, %add3A_438], %broadcast_in_dim3A_294 masked %and3A_432 : memref<200x128xf32, #tpu.memory_space<vmem>>[vector<16xi32>, vector<16xi32>], vector<16xf32>, vector<16xi1>
    %jit3A_439 = arith.constant 1 : i32
    %jit3A_440 = arith.constant 5 : i32
    %div3A_441 = arith.divsi %jit3A_439, %jit3A_440 : i32
    %sign3A_442 = arith.constant 0 : i32
    %sign3A_443 = arith.cmpi sgt, %jit3A_439, %sign3A_442 : i32
    %sign3A_444 = arith.extui %sign3A_443 : i1 to i32
    %sign3A_445 = arith.constant 0 : i32
    %sign3A_446 = arith.cmpi slt, %jit3A_439, %sign3A_445 : i32
    %sign3A_447 = arith.extui %sign3A_446 : i1 to i32
    %sign3A_448 = arith.subi %sign3A_444, %sign3A_447 : i32
    %sign3A_449 = arith.constant 0 : i32
    %sign3A_450 = arith.cmpi sgt, %jit3A_440, %sign3A_449 : i32
    %sign3A_451 = arith.extui %sign3A_450 : i1 to i32
    %sign3A_452 = arith.constant 0 : i32
    %sign3A_453 = arith.cmpi slt, %jit3A_440, %sign3A_452 : i32
    %sign3A_454 = arith.extui %sign3A_453 : i1 to i32
    %sign3A_455 = arith.subi %sign3A_451, %sign3A_454 : i32
    %ne3A_456 = arith.cmpi ne, %sign3A_448, %sign3A_455 : i32
    %rem3A_457 = arith.remsi %jit3A_439, %jit3A_440 : i32
    %ne3A_458 = arith.constant 0 : i32
    %ne3A_459 = arith.cmpi ne, %rem3A_457, %ne3A_458 : i32
    %and3A_460 = arith.andi %ne3A_456, %ne3A_459 : i1
    %sub3A_461 = arith.constant 1 : i32
    %sub3A_462 = arith.subi %div3A_441, %sub3A_461 : i32
    %select_n3A_463 = arith.select %and3A_460, %sub3A_462, %div3A_441 : i32
    %jit3A_464 = arith.constant 1 : i32
    %jit3A_465 = arith.constant 5 : i32
    %eq3A_466 = arith.constant 0 : i32
    %eq3A_467 = arith.cmpi eq, %jit3A_465, %eq3A_466 : i32
    %jit3A_468 = arith.constant 1 : i32
    %select_n3A_469 = arith.select %eq3A_467, %jit3A_468, %jit3A_465 : i32
    %rem3A_470 = arith.remsi %jit3A_464, %select_n3A_469 : i32
    %ne3A_471 = arith.constant 0 : i32
    %ne3A_472 = arith.cmpi ne, %rem3A_470, %ne3A_471 : i32
    %lt3A_473 = arith.constant 0 : i32
    %lt3A_474 = arith.cmpi slt, %rem3A_470, %lt3A_473 : i32
    %lt3A_475 = arith.constant 0 : i32
    %lt3A_476 = arith.cmpi slt, %select_n3A_469, %lt3A_475 : i32
    %ne3A_477 = arith.xori %lt3A_474, %lt3A_476 : i1
    %and3A_478 = arith.andi %ne3A_477, %ne3A_472 : i1
    %add3A_479 = arith.addi %rem3A_470, %select_n3A_469 : i32
    %select_n3A_480 = arith.select %and3A_478, %add3A_479, %rem3A_470 : i32
    %mul3A_481 = arith.constant 200 : i32
    %mul3A_482 = arith.muli %select_n3A_480, %mul3A_481 : i32
    %dma_start3A_483 = tpu.memref_slice %arg3[%select_n3A_463, %mul3A_482, %mul3A_2] : memref<20x1000x4096xf32, #tpu.memory_space<hbm>> -> memref<1x200x128xf32, #tpu.memory_space<hbm>>
    %dma_start3A_484 = tpu.memref_squeeze %dma_start3A_483 : memref<1x200x128xf32, #tpu.memory_space<hbm>> -> memref<200x128xf32, #tpu.memory_space<hbm>>
    %dma_start3A_485 = tpu.memref_slice %arg3[%select_n3A_463, %mul3A_482, %mul3A_2] : memref<20x1000x4096xf32, #tpu.memory_space<hbm>> -> memref<1x200x128xf32, #tpu.memory_space<hbm>>
    %dma_start3A_486 = tpu.memref_squeeze %dma_start3A_485 : memref<1x200x128xf32, #tpu.memory_space<hbm>> -> memref<200x128xf32, #tpu.memory_space<hbm>>
    tpu.enqueue_dma source(%arg6 : memref<200x128xf32, #tpu.memory_space<vmem>>) target(%dma_start3A_486 : memref<200x128xf32, #tpu.memory_space<hbm>>) target_semaphore(%arg8 : memref<!tpu.dma_semaphore, #tpu.memory_space<semaphore_mem>>)
    %scan3A_487 = arith.constant 0 : i32
    %scan3A_488 = arith.constant 1 : i32
    %scan3A_489 = arith.constant 49 : i32
    %scan3A_490 = arith.addi %scan3A_488, %scan3A_489 : i32
    %scan3A_491 = arith.constant 1 : i32
    %scan3A_492 = scf.for %scan3A_590 = %scan3A_488 to %scan3A_490 step %scan3A_491 iter_args(%scan3A_591 = %scan3A_487) -> (i32)  : i32 {
      %mul3A_592 = arith.constant 2 : i32
      %mul3A_593 = arith.muli %scan3A_590, %mul3A_592 : i32
      %add3A_594 = arith.constant 0 : i32
      %add3A_595 = arith.addi %mul3A_593, %add3A_594 : i32
      %sub3A_596 = arith.constant 2 : i32
      %sub3A_597 = arith.subi %add3A_595, %sub3A_596 : i32
      %jit3A_598 = arith.constant 5 : i32
      %div3A_599 = arith.divsi %sub3A_597, %jit3A_598 : i32
      %sign3A_600 = arith.constant 0 : i32
      %sign3A_601 = arith.cmpi sgt, %sub3A_597, %sign3A_600 : i32
      %sign3A_602 = arith.extui %sign3A_601 : i1 to i32
      %sign3A_603 = arith.constant 0 : i32
      %sign3A_604 = arith.cmpi slt, %sub3A_597, %sign3A_603 : i32
      %sign3A_605 = arith.extui %sign3A_604 : i1 to i32
      %sign3A_606 = arith.subi %sign3A_602, %sign3A_605 : i32
      %sign3A_607 = arith.constant 0 : i32
      %sign3A_608 = arith.cmpi sgt, %jit3A_598, %sign3A_607 : i32
      %sign3A_609 = arith.extui %sign3A_608 : i1 to i32
      %sign3A_610 = arith.constant 0 : i32
      %sign3A_611 = arith.cmpi slt, %jit3A_598, %sign3A_610 : i32
      %sign3A_612 = arith.extui %sign3A_611 : i1 to i32
      %sign3A_613 = arith.subi %sign3A_609, %sign3A_612 : i32
      %ne3A_614 = arith.cmpi ne, %sign3A_606, %sign3A_613 : i32
      %rem3A_615 = arith.remsi %sub3A_597, %jit3A_598 : i32
      %ne3A_616 = arith.constant 0 : i32
      %ne3A_617 = arith.cmpi ne, %rem3A_615, %ne3A_616 : i32
      %and3A_618 = arith.andi %ne3A_614, %ne3A_617 : i1
      %sub3A_619 = arith.constant 1 : i32
      %sub3A_620 = arith.subi %div3A_599, %sub3A_619 : i32
      %select_n3A_621 = arith.select %and3A_618, %sub3A_620, %div3A_599 : i32
      %jit3A_622 = arith.constant 5 : i32
      %eq3A_623 = arith.constant 0 : i32
      %eq3A_624 = arith.cmpi eq, %jit3A_622, %eq3A_623 : i32
      %jit3A_625 = arith.constant 1 : i32
      %select_n3A_626 = arith.select %eq3A_624, %jit3A_625, %jit3A_622 : i32
      %rem3A_627 = arith.remsi %sub3A_597, %select_n3A_626 : i32
      %ne3A_628 = arith.constant 0 : i32
      %ne3A_629 = arith.cmpi ne, %rem3A_627, %ne3A_628 : i32
      %lt3A_630 = arith.constant 0 : i32
      %lt3A_631 = arith.cmpi slt, %rem3A_627, %lt3A_630 : i32
      %lt3A_632 = arith.constant 0 : i32
      %lt3A_633 = arith.cmpi slt, %select_n3A_626, %lt3A_632 : i32
      %ne3A_634 = arith.xori %lt3A_631, %lt3A_633 : i1
      %and3A_635 = arith.andi %ne3A_634, %ne3A_629 : i1
      %add3A_636 = arith.addi %rem3A_627, %select_n3A_626 : i32
      %select_n3A_637 = arith.select %and3A_635, %add3A_636, %rem3A_627 : i32
      %mul3A_638 = arith.constant 200 : i32
      %mul3A_639 = arith.muli %select_n3A_637, %mul3A_638 : i32
      %dma_wait3A_640 = tpu.memref_slice %arg3[%select_n3A_621, %mul3A_639, %mul3A_2] : memref<20x1000x4096xf32, #tpu.memory_space<hbm>> -> memref<1x200x128xf32, #tpu.memory_space<hbm>>
      %dma_wait3A_641 = tpu.memref_squeeze %dma_wait3A_640 : memref<1x200x128xf32, #tpu.memory_space<hbm>> -> memref<200x128xf32, #tpu.memory_space<hbm>>
      %dma_wait3A_642 = tpu.memref_slice %arg3[%select_n3A_621, %mul3A_639, %mul3A_2] : memref<20x1000x4096xf32, #tpu.memory_space<hbm>> -> memref<1x200x128xf32, #tpu.memory_space<hbm>>
      %dma_wait3A_643 = tpu.memref_squeeze %dma_wait3A_642 : memref<1x200x128xf32, #tpu.memory_space<hbm>> -> memref<200x128xf32, #tpu.memory_space<hbm>>
      tpu.wait_dma2 semaphore(%arg7 : memref<!tpu.dma_semaphore, #tpu.memory_space<semaphore_mem>>) src(%arg5 : memref<200x128xf32, #tpu.memory_space<vmem>>) dst(%dma_wait3A_643 : memref<200x128xf32, #tpu.memory_space<hbm>>)
      %sub3A_644 = arith.constant 2 : i32
      %sub3A_645 = arith.subi %add3A_595, %sub3A_644 : i32
      %jit3A_646 = arith.constant 5 : i32
      %div3A_647 = arith.divsi %sub3A_645, %jit3A_646 : i32
      %sign3A_648 = arith.constant 0 : i32
      %sign3A_649 = arith.cmpi sgt, %sub3A_645, %sign3A_648 : i32
      %sign3A_650 = arith.extui %sign3A_649 : i1 to i32
      %sign3A_651 = arith.constant 0 : i32
      %sign3A_652 = arith.cmpi slt, %sub3A_645, %sign3A_651 : i32
      %sign3A_653 = arith.extui %sign3A_652 : i1 to i32
      %sign3A_654 = arith.subi %sign3A_650, %sign3A_653 : i32
      %sign3A_655 = arith.constant 0 : i32
      %sign3A_656 = arith.cmpi sgt, %jit3A_646, %sign3A_655 : i32
      %sign3A_657 = arith.extui %sign3A_656 : i1 to i32
      %sign3A_658 = arith.constant 0 : i32
      %sign3A_659 = arith.cmpi slt, %jit3A_646, %sign3A_658 : i32
      %sign3A_660 = arith.extui %sign3A_659 : i1 to i32
      %sign3A_661 = arith.subi %sign3A_657, %sign3A_660 : i32
      %ne3A_662 = arith.cmpi ne, %sign3A_654, %sign3A_661 : i32
      %rem3A_663 = arith.remsi %sub3A_645, %jit3A_646 : i32
      %ne3A_664 = arith.constant 0 : i32
      %ne3A_665 = arith.cmpi ne, %rem3A_663, %ne3A_664 : i32
      %and3A_666 = arith.andi %ne3A_662, %ne3A_665 : i1
      %sub3A_667 = arith.constant 1 : i32
      %sub3A_668 = arith.subi %div3A_647, %sub3A_667 : i32
      %select_n3A_669 = arith.select %and3A_666, %sub3A_668, %div3A_647 : i32
      %jit3A_670 = arith.constant 5 : i32
      %eq3A_671 = arith.constant 0 : i32
      %eq3A_672 = arith.cmpi eq, %jit3A_670, %eq3A_671 : i32
      %jit3A_673 = arith.constant 1 : i32
      %select_n3A_674 = arith.select %eq3A_672, %jit3A_673, %jit3A_670 : i32
      %rem3A_675 = arith.remsi %sub3A_645, %select_n3A_674 : i32
      %ne3A_676 = arith.constant 0 : i32
      %ne3A_677 = arith.cmpi ne, %rem3A_675, %ne3A_676 : i32
      %lt3A_678 = arith.constant 0 : i32
      %lt3A_679 = arith.cmpi slt, %rem3A_675, %lt3A_678 : i32
      %lt3A_680 = arith.constant 0 : i32
      %lt3A_681 = arith.cmpi slt, %select_n3A_674, %lt3A_680 : i32
      %ne3A_682 = arith.xori %lt3A_679, %lt3A_681 : i1
      %and3A_683 = arith.andi %ne3A_682, %ne3A_677 : i1
      %add3A_684 = arith.addi %rem3A_675, %select_n3A_674 : i32
      %select_n3A_685 = arith.select %and3A_683, %add3A_684, %rem3A_675 : i32
      %mul3A_686 = arith.constant 200 : i32
      %mul3A_687 = arith.muli %select_n3A_685, %mul3A_686 : i32
      %broadcast_in_dim3A_688 = arith.constant 0.000000e+00 : f32
      %broadcast_in_dim3A_689 = vector.broadcast %broadcast_in_dim3A_688 : f32 to vector<16xf32>
      %get3A_690 = arith.index_cast %select_n3A_669 : i32 to index
      %get3A_691 = arith.constant 0 : index
      %get3A_692 = tpu.vector_load %arg4[%get3A_690, %get3A_691] {strides = array<i32>} : memref<20x128xi32, #tpu.memory_space<vmem>>, vector<16xi32>,
      %sub3A_693 = vector.broadcast %mul3A_687 : i32 to vector<16xi32>
      %sub3A_694 = arith.subi %get3A_692, %sub3A_693 : vector<16xi32>
      %ge3A_695 = arith.constant 0 : i32
      %ge3A_696 = vector.broadcast %ge3A_695 : i32 to vector<16xi32>
      %ge3A_697 = arith.cmpi sge, %sub3A_694, %ge3A_696 : vector<16xi32>
      %lt3A_698 = arith.constant 200 : i32
      %lt3A_699 = vector.broadcast %lt3A_698 : i32 to vector<16xi32>
      %lt3A_700 = arith.cmpi slt, %sub3A_694, %lt3A_699 : vector<16xi32>
      %and3A_701 = arith.andi %ge3A_697, %lt3A_700 : vector<16xi1>
      %jit3A_702 = arith.constant 0 : i32
      %broadcast_in_dim3A_703 = vector.broadcast %jit3A_702 : i32 to vector<16xi32>
      %select_n3A_704 = arith.select %and3A_701, %sub3A_694, %broadcast_in_dim3A_703 : vector<16xi1>, vector<16xi32>
      %add3A_705 = arith.constant 0 : i32
      %add3A_706 = vector.broadcast %add3A_705 : i32 to vector<16xi32>
      %add3A_707 = arith.addi %iota3A, %add3A_706 : vector<16xi32>
      tpu.vector_store_idx %arg5[%select_n3A_704, %add3A_707], %broadcast_in_dim3A_689 masked %and3A_701 : memref<200x128xf32, #tpu.memory_space<vmem>>[vector<16xi32>, vector<16xi32>], vector<16xf32>, vector<16xi1>
      %get3A_708 = arith.index_cast %select_n3A_669 : i32 to index
      %get3A_709 = arith.constant 16 : index
      %get3A_710 = tpu.vector_load %arg4[%get3A_708, %get3A_709] {strides = array<i32>} : memref<20x128xi32, #tpu.memory_space<vmem>>, vector<16xi32>,
      %sub3A_711 = vector.broadcast %mul3A_687 : i32 to vector<16xi32>
      %sub3A_712 = arith.subi %get3A_710, %sub3A_711 : vector<16xi32>
      %ge3A_713 = arith.constant 0 : i32
      %ge3A_714 = vector.broadcast %ge3A_713 : i32 to vector<16xi32>
      %ge3A_715 = arith.cmpi sge, %sub3A_712, %ge3A_714 : vector<16xi32>
      %lt3A_716 = arith.constant 200 : i32
      %lt3A_717 = vector.broadcast %lt3A_716 : i32 to vector<16xi32>
      %lt3A_718 = arith.cmpi slt, %sub3A_712, %lt3A_717 : vector<16xi32>
      %and3A_719 = arith.andi %ge3A_715, %lt3A_718 : vector<16xi1>
      %jit3A_720 = arith.constant 0 : i32
      %broadcast_in_dim3A_721 = vector.broadcast %jit3A_720 : i32 to vector<16xi32>
      %select_n3A_722 = arith.select %and3A_719, %sub3A_712, %broadcast_in_dim3A_721 : vector<16xi1>, vector<16xi32>
      %add3A_723 = arith.constant 16 : i32
      %add3A_724 = vector.broadcast %add3A_723 : i32 to vector<16xi32>
      %add3A_725 = arith.addi %iota3A, %add3A_724 : vector<16xi32>
      tpu.vector_store_idx %arg5[%select_n3A_722, %add3A_725], %broadcast_in_dim3A_689 masked %and3A_719 : memref<200x128xf32, #tpu.memory_space<vmem>>[vector<16xi32>, vector<16xi32>], vector<16xf32>, vector<16xi1>
      %get3A_726 = arith.index_cast %select_n3A_669 : i32 to index
      %get3A_727 = arith.constant 32 : index
      %get3A_728 = tpu.vector_load %arg4[%get3A_726, %get3A_727] {strides = array<i32>} : memref<20x128xi32, #tpu.memory_space<vmem>>, vector<16xi32>,
      %sub3A_729 = vector.broadcast %mul3A_687 : i32 to vector<16xi32>
      %sub3A_730 = arith.subi %get3A_728, %sub3A_729 : vector<16xi32>
      %ge3A_731 = arith.constant 0 : i32
      %ge3A_732 = vector.broadcast %ge3A_731 : i32 to vector<16xi32>
      %ge3A_733 = arith.cmpi sge, %sub3A_730, %ge3A_732 : vector<16xi32>
      %lt3A_734 = arith.constant 200 : i32
      %lt3A_735 = vector.broadcast %lt3A_734 : i32 to vector<16xi32>
      %lt3A_736 = arith.cmpi slt, %sub3A_730, %lt3A_735 : vector<16xi32>
      %and3A_737 = arith.andi %ge3A_733, %lt3A_736 : vector<16xi1>
      %jit3A_738 = arith.constant 0 : i32
      %broadcast_in_dim3A_739 = vector.broadcast %jit3A_738 : i32 to vector<16xi32>
      %select_n3A_740 = arith.select %and3A_737, %sub3A_730, %broadcast_in_dim3A_739 : vector<16xi1>, vector<16xi32>
      %add3A_741 = arith.constant 32 : i32
      %add3A_742 = vector.broadcast %add3A_741 : i32 to vector<16xi32>
      %add3A_743 = arith.addi %iota3A, %add3A_742 : vector<16xi32>
      tpu.vector_store_idx %arg5[%select_n3A_740, %add3A_743], %broadcast_in_dim3A_689 masked %and3A_737 : memref<200x128xf32, #tpu.memory_space<vmem>>[vector<16xi32>, vector<16xi32>], vector<16xf32>, vector<16xi1>
      %get3A_744 = arith.index_cast %select_n3A_669 : i32 to index
      %get3A_745 = arith.constant 48 : index
      %get3A_746 = tpu.vector_load %arg4[%get3A_744, %get3A_745] {strides = array<i32>} : memref<20x128xi32, #tpu.memory_space<vmem>>, vector<16xi32>,
      %sub3A_747 = vector.broadcast %mul3A_687 : i32 to vector<16xi32>
      %sub3A_748 = arith.subi %get3A_746, %sub3A_747 : vector<16xi32>
      %ge3A_749 = arith.constant 0 : i32
      %ge3A_750 = vector.broadcast %ge3A_749 : i32 to vector<16xi32>
      %ge3A_751 = arith.cmpi sge, %sub3A_748, %ge3A_750 : vector<16xi32>
      %lt3A_752 = arith.constant 200 : i32
      %lt3A_753 = vector.broadcast %lt3A_752 : i32 to vector<16xi32>
      %lt3A_754 = arith.cmpi slt, %sub3A_748, %lt3A_753 : vector<16xi32>
      %and3A_755 = arith.andi %ge3A_751, %lt3A_754 : vector<16xi1>
      %jit3A_756 = arith.constant 0 : i32
      %broadcast_in_dim3A_757 = vector.broadcast %jit3A_756 : i32 to vector<16xi32>
      %select_n3A_758 = arith.select %and3A_755, %sub3A_748, %broadcast_in_dim3A_757 : vector<16xi1>, vector<16xi32>
      %add3A_759 = arith.constant 48 : i32
      %add3A_760 = vector.broadcast %add3A_759 : i32 to vector<16xi32>
      %add3A_761 = arith.addi %iota3A, %add3A_760 : vector<16xi32>
      tpu.vector_store_idx %arg5[%select_n3A_758, %add3A_761], %broadcast_in_dim3A_689 masked %and3A_755 : memref<200x128xf32, #tpu.memory_space<vmem>>[vector<16xi32>, vector<16xi32>], vector<16xf32>, vector<16xi1>
      %get3A_762 = arith.index_cast %select_n3A_669 : i32 to index
      %get3A_763 = arith.constant 64 : index
      %get3A_764 = tpu.vector_load %arg4[%get3A_762, %get3A_763] {strides = array<i32>} : memref<20x128xi32, #tpu.memory_space<vmem>>, vector<16xi32>,
      %sub3A_765 = vector.broadcast %mul3A_687 : i32 to vector<16xi32>
      %sub3A_766 = arith.subi %get3A_764, %sub3A_765 : vector<16xi32>
      %ge3A_767 = arith.constant 0 : i32
      %ge3A_768 = vector.broadcast %ge3A_767 : i32 to vector<16xi32>
      %ge3A_769 = arith.cmpi sge, %sub3A_766, %ge3A_768 : vector<16xi32>
      %lt3A_770 = arith.constant 200 : i32
      %lt3A_771 = vector.broadcast %lt3A_770 : i32 to vector<16xi32>
      %lt3A_772 = arith.cmpi slt, %sub3A_766, %lt3A_771 : vector<16xi32>
      %and3A_773 = arith.andi %ge3A_769, %lt3A_772 : vector<16xi1>
      %jit3A_774 = arith.constant 0 : i32
      %broadcast_in_dim3A_775 = vector.broadcast %jit3A_774 : i32 to vector<16xi32>
      %select_n3A_776 = arith.select %and3A_773, %sub3A_766, %broadcast_in_dim3A_775 : vector<16xi1>, vector<16xi32>
      %add3A_777 = arith.constant 64 : i32
      %add3A_778 = vector.broadcast %add3A_777 : i32 to vector<16xi32>
      %add3A_779 = arith.addi %iota3A, %add3A_778 : vector<16xi32>
      tpu.vector_store_idx %arg5[%select_n3A_776, %add3A_779], %broadcast_in_dim3A_689 masked %and3A_773 : memref<200x128xf32, #tpu.memory_space<vmem>>[vector<16xi32>, vector<16xi32>], vector<16xf32>, vector<16xi1>
      %get3A_780 = arith.index_cast %select_n3A_669 : i32 to index
      %get3A_781 = arith.constant 80 : index
      %get3A_782 = tpu.vector_load %arg4[%get3A_780, %get3A_781] {strides = array<i32>} : memref<20x128xi32, #tpu.memory_space<vmem>>, vector<16xi32>,
      %sub3A_783 = vector.broadcast %mul3A_687 : i32 to vector<16xi32>
      %sub3A_784 = arith.subi %get3A_782, %sub3A_783 : vector<16xi32>
      %ge3A_785 = arith.constant 0 : i32
      %ge3A_786 = vector.broadcast %ge3A_785 : i32 to vector<16xi32>
      %ge3A_787 = arith.cmpi sge, %sub3A_784, %ge3A_786 : vector<16xi32>
      %lt3A_788 = arith.constant 200 : i32
      %lt3A_789 = vector.broadcast %lt3A_788 : i32 to vector<16xi32>
      %lt3A_790 = arith.cmpi slt, %sub3A_784, %lt3A_789 : vector<16xi32>
      %and3A_791 = arith.andi %ge3A_787, %lt3A_790 : vector<16xi1>
      %jit3A_792 = arith.constant 0 : i32
      %broadcast_in_dim3A_793 = vector.broadcast %jit3A_792 : i32 to vector<16xi32>
      %select_n3A_794 = arith.select %and3A_791, %sub3A_784, %broadcast_in_dim3A_793 : vector<16xi1>, vector<16xi32>
      %add3A_795 = arith.constant 80 : i32
      %add3A_796 = vector.broadcast %add3A_795 : i32 to vector<16xi32>
      %add3A_797 = arith.addi %iota3A, %add3A_796 : vector<16xi32>
      tpu.vector_store_idx %arg5[%select_n3A_794, %add3A_797], %broadcast_in_dim3A_689 masked %and3A_791 : memref<200x128xf32, #tpu.memory_space<vmem>>[vector<16xi32>, vector<16xi32>], vector<16xf32>, vector<16xi1>
      %get3A_798 = arith.index_cast %select_n3A_669 : i32 to index
      %get3A_799 = arith.constant 96 : index
      %get3A_800 = tpu.vector_load %arg4[%get3A_798, %get3A_799] {strides = array<i32>} : memref<20x128xi32, #tpu.memory_space<vmem>>, vector<16xi32>,
      %sub3A_801 = vector.broadcast %mul3A_687 : i32 to vector<16xi32>
      %sub3A_802 = arith.subi %get3A_800, %sub3A_801 : vector<16xi32>
      %ge3A_803 = arith.constant 0 : i32
      %ge3A_804 = vector.broadcast %ge3A_803 : i32 to vector<16xi32>
      %ge3A_805 = arith.cmpi sge, %sub3A_802, %ge3A_804 : vector<16xi32>
      %lt3A_806 = arith.constant 200 : i32
      %lt3A_807 = vector.broadcast %lt3A_806 : i32 to vector<16xi32>
      %lt3A_808 = arith.cmpi slt, %sub3A_802, %lt3A_807 : vector<16xi32>
      %and3A_809 = arith.andi %ge3A_805, %lt3A_808 : vector<16xi1>
      %jit3A_810 = arith.constant 0 : i32
      %broadcast_in_dim3A_811 = vector.broadcast %jit3A_810 : i32 to vector<16xi32>
      %select_n3A_812 = arith.select %and3A_809, %sub3A_802, %broadcast_in_dim3A_811 : vector<16xi1>, vector<16xi32>
      %add3A_813 = arith.constant 96 : i32
      %add3A_814 = vector.broadcast %add3A_813 : i32 to vector<16xi32>
      %add3A_815 = arith.addi %iota3A, %add3A_814 : vector<16xi32>
      tpu.vector_store_idx %arg5[%select_n3A_812, %add3A_815], %broadcast_in_dim3A_689 masked %and3A_809 : memref<200x128xf32, #tpu.memory_space<vmem>>[vector<16xi32>, vector<16xi32>], vector<16xf32>, vector<16xi1>
      %get3A_816 = arith.index_cast %select_n3A_669 : i32 to index
      %get3A_817 = arith.constant 112 : index
      %get3A_818 = tpu.vector_load %arg4[%get3A_816, %get3A_817] {strides = array<i32>} : memref<20x128xi32, #tpu.memory_space<vmem>>, vector<16xi32>,
      %sub3A_819 = vector.broadcast %mul3A_687 : i32 to vector<16xi32>
      %sub3A_820 = arith.subi %get3A_818, %sub3A_819 : vector<16xi32>
      %ge3A_821 = arith.constant 0 : i32
      %ge3A_822 = vector.broadcast %ge3A_821 : i32 to vector<16xi32>
      %ge3A_823 = arith.cmpi sge, %sub3A_820, %ge3A_822 : vector<16xi32>
      %lt3A_824 = arith.constant 200 : i32
      %lt3A_825 = vector.broadcast %lt3A_824 : i32 to vector<16xi32>
      %lt3A_826 = arith.cmpi slt, %sub3A_820, %lt3A_825 : vector<16xi32>
      %and3A_827 = arith.andi %ge3A_823, %lt3A_826 : vector<16xi1>
      %jit3A_828 = arith.constant 0 : i32
      %broadcast_in_dim3A_829 = vector.broadcast %jit3A_828 : i32 to vector<16xi32>
      %select_n3A_830 = arith.select %and3A_827, %sub3A_820, %broadcast_in_dim3A_829 : vector<16xi1>, vector<16xi32>
      %add3A_831 = arith.constant 112 : i32
      %add3A_832 = vector.broadcast %add3A_831 : i32 to vector<16xi32>
      %add3A_833 = arith.addi %iota3A, %add3A_832 : vector<16xi32>
      tpu.vector_store_idx %arg5[%select_n3A_830, %add3A_833], %broadcast_in_dim3A_689 masked %and3A_827 : memref<200x128xf32, #tpu.memory_space<vmem>>[vector<16xi32>, vector<16xi32>], vector<16xf32>, vector<16xi1>
      %jit3A_834 = arith.constant 5 : i32
      %div3A_835 = arith.divsi %add3A_595, %jit3A_834 : i32
      %sign3A_836 = arith.constant 0 : i32
      %sign3A_837 = arith.cmpi sgt, %add3A_595, %sign3A_836 : i32
      %sign3A_838 = arith.extui %sign3A_837 : i1 to i32
      %sign3A_839 = arith.constant 0 : i32
      %sign3A_840 = arith.cmpi slt, %add3A_595, %sign3A_839 : i32
      %sign3A_841 = arith.extui %sign3A_840 : i1 to i32
      %sign3A_842 = arith.subi %sign3A_838, %sign3A_841 : i32
      %sign3A_843 = arith.constant 0 : i32
      %sign3A_844 = arith.cmpi sgt, %jit3A_834, %sign3A_843 : i32
      %sign3A_845 = arith.extui %sign3A_844 : i1 to i32
      %sign3A_846 = arith.constant 0 : i32
      %sign3A_847 = arith.cmpi slt, %jit3A_834, %sign3A_846 : i32
      %sign3A_848 = arith.extui %sign3A_847 : i1 to i32
      %sign3A_849 = arith.subi %sign3A_845, %sign3A_848 : i32
      %ne3A_850 = arith.cmpi ne, %sign3A_842, %sign3A_849 : i32
      %rem3A_851 = arith.remsi %add3A_595, %jit3A_834 : i32
      %ne3A_852 = arith.constant 0 : i32
      %ne3A_853 = arith.cmpi ne, %rem3A_851, %ne3A_852 : i32
      %and3A_854 = arith.andi %ne3A_850, %ne3A_853 : i1
      %sub3A_855 = arith.constant 1 : i32
      %sub3A_856 = arith.subi %div3A_835, %sub3A_855 : i32
      %select_n3A_857 = arith.select %and3A_854, %sub3A_856, %div3A_835 : i32
      %jit3A_858 = arith.constant 5 : i32
      %eq3A_859 = arith.constant 0 : i32
      %eq3A_860 = arith.cmpi eq, %jit3A_858, %eq3A_859 : i32
      %jit3A_861 = arith.constant 1 : i32
      %select_n3A_862 = arith.select %eq3A_860, %jit3A_861, %jit3A_858 : i32
      %rem3A_863 = arith.remsi %add3A_595, %select_n3A_862 : i32
      %ne3A_864 = arith.constant 0 : i32
      %ne3A_865 = arith.cmpi ne, %rem3A_863, %ne3A_864 : i32
      %lt3A_866 = arith.constant 0 : i32
      %lt3A_867 = arith.cmpi slt, %rem3A_863, %lt3A_866 : i32
      %lt3A_868 = arith.constant 0 : i32
      %lt3A_869 = arith.cmpi slt, %select_n3A_862, %lt3A_868 : i32
      %ne3A_870 = arith.xori %lt3A_867, %lt3A_869 : i1
      %and3A_871 = arith.andi %ne3A_870, %ne3A_865 : i1
      %add3A_872 = arith.addi %rem3A_863, %select_n3A_862 : i32
      %select_n3A_873 = arith.select %and3A_871, %add3A_872, %rem3A_863 : i32
      %mul3A_874 = arith.constant 200 : i32
      %mul3A_875 = arith.muli %select_n3A_873, %mul3A_874 : i32
      %broadcast_in_dim3A_876 = arith.constant 1.000000e+00 : f32
      %broadcast_in_dim3A_877 = vector.broadcast %broadcast_in_dim3A_876 : f32 to vector<16xf32>
      %get3A_878 = arith.index_cast %select_n3A_857 : i32 to index
      %get3A_879 = arith.constant 0 : index
      %get3A_880 = tpu.vector_load %arg4[%get3A_878, %get3A_879] {strides = array<i32>} : memref<20x128xi32, #tpu.memory_space<vmem>>, vector<16xi32>,
      %sub3A_881 = vector.broadcast %mul3A_875 : i32 to vector<16xi32>
      %sub3A_882 = arith.subi %get3A_880, %sub3A_881 : vector<16xi32>
      %ge3A_883 = arith.constant 0 : i32
      %ge3A_884 = vector.broadcast %ge3A_883 : i32 to vector<16xi32>
      %ge3A_885 = arith.cmpi sge, %sub3A_882, %ge3A_884 : vector<16xi32>
      %lt3A_886 = arith.constant 200 : i32
      %lt3A_887 = vector.broadcast %lt3A_886 : i32 to vector<16xi32>
      %lt3A_888 = arith.cmpi slt, %sub3A_882, %lt3A_887 : vector<16xi32>
      %and3A_889 = arith.andi %ge3A_885, %lt3A_888 : vector<16xi1>
      %jit3A_890 = arith.constant 0 : i32
      %broadcast_in_dim3A_891 = vector.broadcast %jit3A_890 : i32 to vector<16xi32>
      %select_n3A_892 = arith.select %and3A_889, %sub3A_882, %broadcast_in_dim3A_891 : vector<16xi1>, vector<16xi32>
      %add3A_893 = arith.constant 0 : i32
      %add3A_894 = vector.broadcast %add3A_893 : i32 to vector<16xi32>
      %add3A_895 = arith.addi %iota3A, %add3A_894 : vector<16xi32>
      tpu.vector_store_idx %arg5[%select_n3A_892, %add3A_895], %broadcast_in_dim3A_877 masked %and3A_889 : memref<200x128xf32, #tpu.memory_space<vmem>>[vector<16xi32>, vector<16xi32>], vector<16xf32>, vector<16xi1>
      %get3A_896 = arith.index_cast %select_n3A_857 : i32 to index
      %get3A_897 = arith.constant 16 : index
      %get3A_898 = tpu.vector_load %arg4[%get3A_896, %get3A_897] {strides = array<i32>} : memref<20x128xi32, #tpu.memory_space<vmem>>, vector<16xi32>,
      %sub3A_899 = vector.broadcast %mul3A_875 : i32 to vector<16xi32>
      %sub3A_900 = arith.subi %get3A_898, %sub3A_899 : vector<16xi32>
      %ge3A_901 = arith.constant 0 : i32
      %ge3A_902 = vector.broadcast %ge3A_901 : i32 to vector<16xi32>
      %ge3A_903 = arith.cmpi sge, %sub3A_900, %ge3A_902 : vector<16xi32>
      %lt3A_904 = arith.constant 200 : i32
      %lt3A_905 = vector.broadcast %lt3A_904 : i32 to vector<16xi32>
      %lt3A_906 = arith.cmpi slt, %sub3A_900, %lt3A_905 : vector<16xi32>
      %and3A_907 = arith.andi %ge3A_903, %lt3A_906 : vector<16xi1>
      %jit3A_908 = arith.constant 0 : i32
      %broadcast_in_dim3A_909 = vector.broadcast %jit3A_908 : i32 to vector<16xi32>
      %select_n3A_910 = arith.select %and3A_907, %sub3A_900, %broadcast_in_dim3A_909 : vector<16xi1>, vector<16xi32>
      %add3A_911 = arith.constant 16 : i32
      %add3A_912 = vector.broadcast %add3A_911 : i32 to vector<16xi32>
      %add3A_913 = arith.addi %iota3A, %add3A_912 : vector<16xi32>
      tpu.vector_store_idx %arg5[%select_n3A_910, %add3A_913], %broadcast_in_dim3A_877 masked %and3A_907 : memref<200x128xf32, #tpu.memory_space<vmem>>[vector<16xi32>, vector<16xi32>], vector<16xf32>, vector<16xi1>
      %get3A_914 = arith.index_cast %select_n3A_857 : i32 to index
      %get3A_915 = arith.constant 32 : index
      %get3A_916 = tpu.vector_load %arg4[%get3A_914, %get3A_915] {strides = array<i32>} : memref<20x128xi32, #tpu.memory_space<vmem>>, vector<16xi32>,
      %sub3A_917 = vector.broadcast %mul3A_875 : i32 to vector<16xi32>
      %sub3A_918 = arith.subi %get3A_916, %sub3A_917 : vector<16xi32>
      %ge3A_919 = arith.constant 0 : i32
      %ge3A_920 = vector.broadcast %ge3A_919 : i32 to vector<16xi32>
      %ge3A_921 = arith.cmpi sge, %sub3A_918, %ge3A_920 : vector<16xi32>
      %lt3A_922 = arith.constant 200 : i32
      %lt3A_923 = vector.broadcast %lt3A_922 : i32 to vector<16xi32>
      %lt3A_924 = arith.cmpi slt, %sub3A_918, %lt3A_923 : vector<16xi32>
      %and3A_925 = arith.andi %ge3A_921, %lt3A_924 : vector<16xi1>
      %jit3A_926 = arith.constant 0 : i32
      %broadcast_in_dim3A_927 = vector.broadcast %jit3A_926 : i32 to vector<16xi32>
      %select_n3A_928 = arith.select %and3A_925, %sub3A_918, %broadcast_in_dim3A_927 : vector<16xi1>, vector<16xi32>
      %add3A_929 = arith.constant 32 : i32
      %add3A_930 = vector.broadcast %add3A_929 : i32 to vector<16xi32>
      %add3A_931 = arith.addi %iota3A, %add3A_930 : vector<16xi32>
      tpu.vector_store_idx %arg5[%select_n3A_928, %add3A_931], %broadcast_in_dim3A_877 masked %and3A_925 : memref<200x128xf32, #tpu.memory_space<vmem>>[vector<16xi32>, vector<16xi32>], vector<16xf32>, vector<16xi1>
      %get3A_932 = arith.index_cast %select_n3A_857 : i32 to index
      %get3A_933 = arith.constant 48 : index
      %get3A_934 = tpu.vector_load %arg4[%get3A_932, %get3A_933] {strides = array<i32>} : memref<20x128xi32, #tpu.memory_space<vmem>>, vector<16xi32>,
      %sub3A_935 = vector.broadcast %mul3A_875 : i32 to vector<16xi32>
      %sub3A_936 = arith.subi %get3A_934, %sub3A_935 : vector<16xi32>
      %ge3A_937 = arith.constant 0 : i32
      %ge3A_938 = vector.broadcast %ge3A_937 : i32 to vector<16xi32>
      %ge3A_939 = arith.cmpi sge, %sub3A_936, %ge3A_938 : vector<16xi32>
      %lt3A_940 = arith.constant 200 : i32
      %lt3A_941 = vector.broadcast %lt3A_940 : i32 to vector<16xi32>
      %lt3A_942 = arith.cmpi slt, %sub3A_936, %lt3A_941 : vector<16xi32>
      %and3A_943 = arith.andi %ge3A_939, %lt3A_942 : vector<16xi1>
      %jit3A_944 = arith.constant 0 : i32
      %broadcast_in_dim3A_945 = vector.broadcast %jit3A_944 : i32 to vector<16xi32>
      %select_n3A_946 = arith.select %and3A_943, %sub3A_936, %broadcast_in_dim3A_945 : vector<16xi1>, vector<16xi32>
      %add3A_947 = arith.constant 48 : i32
      %add3A_948 = vector.broadcast %add3A_947 : i32 to vector<16xi32>
      %add3A_949 = arith.addi %iota3A, %add3A_948 : vector<16xi32>
      tpu.vector_store_idx %arg5[%select_n3A_946, %add3A_949], %broadcast_in_dim3A_877 masked %and3A_943 : memref<200x128xf32, #tpu.memory_space<vmem>>[vector<16xi32>, vector<16xi32>], vector<16xf32>, vector<16xi1>
      %get3A_950 = arith.index_cast %select_n3A_857 : i32 to index
      %get3A_951 = arith.constant 64 : index
      %get3A_952 = tpu.vector_load %arg4[%get3A_950, %get3A_951] {strides = array<i32>} : memref<20x128xi32, #tpu.memory_space<vmem>>, vector<16xi32>,
      %sub3A_953 = vector.broadcast %mul3A_875 : i32 to vector<16xi32>
      %sub3A_954 = arith.subi %get3A_952, %sub3A_953 : vector<16xi32>
      %ge3A_955 = arith.constant 0 : i32
      %ge3A_956 = vector.broadcast %ge3A_955 : i32 to vector<16xi32>
      %ge3A_957 = arith.cmpi sge, %sub3A_954, %ge3A_956 : vector<16xi32>
      %lt3A_958 = arith.constant 200 : i32
      %lt3A_959 = vector.broadcast %lt3A_958 : i32 to vector<16xi32>
      %lt3A_960 = arith.cmpi slt, %sub3A_954, %lt3A_959 : vector<16xi32>
      %and3A_961 = arith.andi %ge3A_957, %lt3A_960 : vector<16xi1>
      %jit3A_962 = arith.constant 0 : i32
      %broadcast_in_dim3A_963 = vector.broadcast %jit3A_962 : i32 to vector<16xi32>
      %select_n3A_964 = arith.select %and3A_961, %sub3A_954, %broadcast_in_dim3A_963 : vector<16xi1>, vector<16xi32>
      %add3A_965 = arith.constant 64 : i32
      %add3A_966 = vector.broadcast %add3A_965 : i32 to vector<16xi32>
      %add3A_967 = arith.addi %iota3A, %add3A_966 : vector<16xi32>
      tpu.vector_store_idx %arg5[%select_n3A_964, %add3A_967], %broadcast_in_dim3A_877 masked %and3A_961 : memref<200x128xf32, #tpu.memory_space<vmem>>[vector<16xi32>, vector<16xi32>], vector<16xf32>, vector<16xi1>
      %get3A_968 = arith.index_cast %select_n3A_857 : i32 to index
      %get3A_969 = arith.constant 80 : index
      %get3A_970 = tpu.vector_load %arg4[%get3A_968, %get3A_969] {strides = array<i32>} : memref<20x128xi32, #tpu.memory_space<vmem>>, vector<16xi32>,
      %sub3A_971 = vector.broadcast %mul3A_875 : i32 to vector<16xi32>
      %sub3A_972 = arith.subi %get3A_970, %sub3A_971 : vector<16xi32>
      %ge3A_973 = arith.constant 0 : i32
      %ge3A_974 = vector.broadcast %ge3A_973 : i32 to vector<16xi32>
      %ge3A_975 = arith.cmpi sge, %sub3A_972, %ge3A_974 : vector<16xi32>
      %lt3A_976 = arith.constant 200 : i32
      %lt3A_977 = vector.broadcast %lt3A_976 : i32 to vector<16xi32>
      %lt3A_978 = arith.cmpi slt, %sub3A_972, %lt3A_977 : vector<16xi32>
      %and3A_979 = arith.andi %ge3A_975, %lt3A_978 : vector<16xi1>
      %jit3A_980 = arith.constant 0 : i32
      %broadcast_in_dim3A_981 = vector.broadcast %jit3A_980 : i32 to vector<16xi32>
      %select_n3A_982 = arith.select %and3A_979, %sub3A_972, %broadcast_in_dim3A_981 : vector<16xi1>, vector<16xi32>
      %add3A_983 = arith.constant 80 : i32
      %add3A_984 = vector.broadcast %add3A_983 : i32 to vector<16xi32>
      %add3A_985 = arith.addi %iota3A, %add3A_984 : vector<16xi32>
      tpu.vector_store_idx %arg5[%select_n3A_982, %add3A_985], %broadcast_in_dim3A_877 masked %and3A_979 : memref<200x128xf32, #tpu.memory_space<vmem>>[vector<16xi32>, vector<16xi32>], vector<16xf32>, vector<16xi1>
      %get3A_986 = arith.index_cast %select_n3A_857 : i32 to index
      %get3A_987 = arith.constant 96 : index
      %get3A_988 = tpu.vector_load %arg4[%get3A_986, %get3A_987] {strides = array<i32>} : memref<20x128xi32, #tpu.memory_space<vmem>>, vector<16xi32>,
      %sub3A_989 = vector.broadcast %mul3A_875 : i32 to vector<16xi32>
      %sub3A_990 = arith.subi %get3A_988, %sub3A_989 : vector<16xi32>
      %ge3A_991 = arith.constant 0 : i32
      %ge3A_992 = vector.broadcast %ge3A_991 : i32 to vector<16xi32>
      %ge3A_993 = arith.cmpi sge, %sub3A_990, %ge3A_992 : vector<16xi32>
      %lt3A_994 = arith.constant 200 : i32
      %lt3A_995 = vector.broadcast %lt3A_994 : i32 to vector<16xi32>
      %lt3A_996 = arith.cmpi slt, %sub3A_990, %lt3A_995 : vector<16xi32>
      %and3A_997 = arith.andi %ge3A_993, %lt3A_996 : vector<16xi1>
      %jit3A_998 = arith.constant 0 : i32
      %broadcast_in_dim3A_999 = vector.broadcast %jit3A_998 : i32 to vector<16xi32>
      %select_n3A_1000 = arith.select %and3A_997, %sub3A_990, %broadcast_in_dim3A_999 : vector<16xi1>, vector<16xi32>
      %add3A_1001 = arith.constant 96 : i32
      %add3A_1002 = vector.broadcast %add3A_1001 : i32 to vector<16xi32>
      %add3A_1003 = arith.addi %iota3A, %add3A_1002 : vector<16xi32>
      tpu.vector_store_idx %arg5[%select_n3A_1000, %add3A_1003], %broadcast_in_dim3A_877 masked %and3A_997 : memref<200x128xf32, #tpu.memory_space<vmem>>[vector<16xi32>, vector<16xi32>], vector<16xf32>, vector<16xi1>
      %get3A_1004 = arith.index_cast %select_n3A_857 : i32 to index
      %get3A_1005 = arith.constant 112 : index
      %get3A_1006 = tpu.vector_load %arg4[%get3A_1004, %get3A_1005] {strides = array<i32>} : memref<20x128xi32, #tpu.memory_space<vmem>>, vector<16xi32>,
      %sub3A_1007 = vector.broadcast %mul3A_875 : i32 to vector<16xi32>
      %sub3A_1008 = arith.subi %get3A_1006, %sub3A_1007 : vector<16xi32>
      %ge3A_1009 = arith.constant 0 : i32
      %ge3A_1010 = vector.broadcast %ge3A_1009 : i32 to vector<16xi32>
      %ge3A_1011 = arith.cmpi sge, %sub3A_1008, %ge3A_1010 : vector<16xi32>
      %lt3A_1012 = arith.constant 200 : i32
      %lt3A_1013 = vector.broadcast %lt3A_1012 : i32 to vector<16xi32>
      %lt3A_1014 = arith.cmpi slt, %sub3A_1008, %lt3A_1013 : vector<16xi32>
      %and3A_1015 = arith.andi %ge3A_1011, %lt3A_1014 : vector<16xi1>
      %jit3A_1016 = arith.constant 0 : i32
      %broadcast_in_dim3A_1017 = vector.broadcast %jit3A_1016 : i32 to vector<16xi32>
      %select_n3A_1018 = arith.select %and3A_1015, %sub3A_1008, %broadcast_in_dim3A_1017 : vector<16xi1>, vector<16xi32>
      %add3A_1019 = arith.constant 112 : i32
      %add3A_1020 = vector.broadcast %add3A_1019 : i32 to vector<16xi32>
      %add3A_1021 = arith.addi %iota3A, %add3A_1020 : vector<16xi32>
      tpu.vector_store_idx %arg5[%select_n3A_1018, %add3A_1021], %broadcast_in_dim3A_877 masked %and3A_1015 : memref<200x128xf32, #tpu.memory_space<vmem>>[vector<16xi32>, vector<16xi32>], vector<16xf32>, vector<16xi1>
      %jit3A_1022 = arith.constant 5 : i32
      %div3A_1023 = arith.divsi %add3A_595, %jit3A_1022 : i32
      %sign3A_1024 = arith.constant 0 : i32
      %sign3A_1025 = arith.cmpi sgt, %add3A_595, %sign3A_1024 : i32
      %sign3A_1026 = arith.extui %sign3A_1025 : i1 to i32
      %sign3A_1027 = arith.constant 0 : i32
      %sign3A_1028 = arith.cmpi slt, %add3A_595, %sign3A_1027 : i32
      %sign3A_1029 = arith.extui %sign3A_1028 : i1 to i32
      %sign3A_1030 = arith.subi %sign3A_1026, %sign3A_1029 : i32
      %sign3A_1031 = arith.constant 0 : i32
      %sign3A_1032 = arith.cmpi sgt, %jit3A_1022, %sign3A_1031 : i32
      %sign3A_1033 = arith.extui %sign3A_1032 : i1 to i32
      %sign3A_1034 = arith.constant 0 : i32
      %sign3A_1035 = arith.cmpi slt, %jit3A_1022, %sign3A_1034 : i32
      %sign3A_1036 = arith.extui %sign3A_1035 : i1 to i32
      %sign3A_1037 = arith.subi %sign3A_1033, %sign3A_1036 : i32
      %ne3A_1038 = arith.cmpi ne, %sign3A_1030, %sign3A_1037 : i32
      %rem3A_1039 = arith.remsi %add3A_595, %jit3A_1022 : i32
      %ne3A_1040 = arith.constant 0 : i32
      %ne3A_1041 = arith.cmpi ne, %rem3A_1039, %ne3A_1040 : i32
      %and3A_1042 = arith.andi %ne3A_1038, %ne3A_1041 : i1
      %sub3A_1043 = arith.constant 1 : i32
      %sub3A_1044 = arith.subi %div3A_1023, %sub3A_1043 : i32
      %select_n3A_1045 = arith.select %and3A_1042, %sub3A_1044, %div3A_1023 : i32
      %jit3A_1046 = arith.constant 5 : i32
      %eq3A_1047 = arith.constant 0 : i32
      %eq3A_1048 = arith.cmpi eq, %jit3A_1046, %eq3A_1047 : i32
      %jit3A_1049 = arith.constant 1 : i32
      %select_n3A_1050 = arith.select %eq3A_1048, %jit3A_1049, %jit3A_1046 : i32
      %rem3A_1051 = arith.remsi %add3A_595, %select_n3A_1050 : i32
      %ne3A_1052 = arith.constant 0 : i32
      %ne3A_1053 = arith.cmpi ne, %rem3A_1051, %ne3A_1052 : i32
      %lt3A_1054 = arith.constant 0 : i32
      %lt3A_1055 = arith.cmpi slt, %rem3A_1051, %lt3A_1054 : i32
      %lt3A_1056 = arith.constant 0 : i32
      %lt3A_1057 = arith.cmpi slt, %select_n3A_1050, %lt3A_1056 : i32
      %ne3A_1058 = arith.xori %lt3A_1055, %lt3A_1057 : i1
      %and3A_1059 = arith.andi %ne3A_1058, %ne3A_1053 : i1
      %add3A_1060 = arith.addi %rem3A_1051, %select_n3A_1050 : i32
      %select_n3A_1061 = arith.select %and3A_1059, %add3A_1060, %rem3A_1051 : i32
      %mul3A_1062 = arith.constant 200 : i32
      %mul3A_1063 = arith.muli %select_n3A_1061, %mul3A_1062 : i32
      %dma_start3A_1064 = tpu.memref_slice %arg3[%select_n3A_1045, %mul3A_1063, %mul3A_2] : memref<20x1000x4096xf32, #tpu.memory_space<hbm>> -> memref<1x200x128xf32, #tpu.memory_space<hbm>>
      %dma_start3A_1065 = tpu.memref_squeeze %dma_start3A_1064 : memref<1x200x128xf32, #tpu.memory_space<hbm>> -> memref<200x128xf32, #tpu.memory_space<hbm>>
      %dma_start3A_1066 = tpu.memref_slice %arg3[%select_n3A_1045, %mul3A_1063, %mul3A_2] : memref<20x1000x4096xf32, #tpu.memory_space<hbm>> -> memref<1x200x128xf32, #tpu.memory_space<hbm>>
      %dma_start3A_1067 = tpu.memref_squeeze %dma_start3A_1066 : memref<1x200x128xf32, #tpu.memory_space<hbm>> -> memref<200x128xf32, #tpu.memory_space<hbm>>
      tpu.enqueue_dma source(%arg5 : memref<200x128xf32, #tpu.memory_space<vmem>>) target(%dma_start3A_1067 : memref<200x128xf32, #tpu.memory_space<hbm>>) target_semaphore(%arg7 : memref<!tpu.dma_semaphore, #tpu.memory_space<semaphore_mem>>)
      %add3A_1068 = arith.constant 1 : i32
      %add3A_1069 = arith.addi %mul3A_593, %add3A_1068 : i32
      %sub3A_1070 = arith.constant 2 : i32
      %sub3A_1071 = arith.subi %add3A_1069, %sub3A_1070 : i32
      %jit3A_1072 = arith.constant 5 : i32
      %div3A_1073 = arith.divsi %sub3A_1071, %jit3A_1072 : i32
      %sign3A_1074 = arith.constant 0 : i32
      %sign3A_1075 = arith.cmpi sgt, %sub3A_1071, %sign3A_1074 : i32
      %sign3A_1076 = arith.extui %sign3A_1075 : i1 to i32
      %sign3A_1077 = arith.constant 0 : i32
      %sign3A_1078 = arith.cmpi slt, %sub3A_1071, %sign3A_1077 : i32
      %sign3A_1079 = arith.extui %sign3A_1078 : i1 to i32
      %sign3A_1080 = arith.subi %sign3A_1076, %sign3A_1079 : i32
      %sign3A_1081 = arith.constant 0 : i32
      %sign3A_1082 = arith.cmpi sgt, %jit3A_1072, %sign3A_1081 : i32
      %sign3A_1083 = arith.extui %sign3A_1082 : i1 to i32
      %sign3A_1084 = arith.constant 0 : i32
      %sign3A_1085 = arith.cmpi slt, %jit3A_1072, %sign3A_1084 : i32
      %sign3A_1086 = arith.extui %sign3A_1085 : i1 to i32
      %sign3A_1087 = arith.subi %sign3A_1083, %sign3A_1086 : i32
      %ne3A_1088 = arith.cmpi ne, %sign3A_1080, %sign3A_1087 : i32
      %rem3A_1089 = arith.remsi %sub3A_1071, %jit3A_1072 : i32
      %ne3A_1090 = arith.constant 0 : i32
      %ne3A_1091 = arith.cmpi ne, %rem3A_1089, %ne3A_1090 : i32
      %and3A_1092 = arith.andi %ne3A_1088, %ne3A_1091 : i1
      %sub3A_1093 = arith.constant 1 : i32
      %sub3A_1094 = arith.subi %div3A_1073, %sub3A_1093 : i32
      %select_n3A_1095 = arith.select %and3A_1092, %sub3A_1094, %div3A_1073 : i32
      %jit3A_1096 = arith.constant 5 : i32
      %eq3A_1097 = arith.constant 0 : i32
      %eq3A_1098 = arith.cmpi eq, %jit3A_1096, %eq3A_1097 : i32
      %jit3A_1099 = arith.constant 1 : i32
      %select_n3A_1100 = arith.select %eq3A_1098, %jit3A_1099, %jit3A_1096 : i32
      %rem3A_1101 = arith.remsi %sub3A_1071, %select_n3A_1100 : i32
      %ne3A_1102 = arith.constant 0 : i32
      %ne3A_1103 = arith.cmpi ne, %rem3A_1101, %ne3A_1102 : i32
      %lt3A_1104 = arith.constant 0 : i32
      %lt3A_1105 = arith.cmpi slt, %rem3A_1101, %lt3A_1104 : i32
      %lt3A_1106 = arith.constant 0 : i32
      %lt3A_1107 = arith.cmpi slt, %select_n3A_1100, %lt3A_1106 : i32
      %ne3A_1108 = arith.xori %lt3A_1105, %lt3A_1107 : i1
      %and3A_1109 = arith.andi %ne3A_1108, %ne3A_1103 : i1
      %add3A_1110 = arith.addi %rem3A_1101, %select_n3A_1100 : i32
      %select_n3A_1111 = arith.select %and3A_1109, %add3A_1110, %rem3A_1101 : i32
      %mul3A_1112 = arith.constant 200 : i32
      %mul3A_1113 = arith.muli %select_n3A_1111, %mul3A_1112 : i32
      %dma_wait3A_1114 = tpu.memref_slice %arg3[%select_n3A_1095, %mul3A_1113, %mul3A_2] : memref<20x1000x4096xf32, #tpu.memory_space<hbm>> -> memref<1x200x128xf32, #tpu.memory_space<hbm>>
      %dma_wait3A_1115 = tpu.memref_squeeze %dma_wait3A_1114 : memref<1x200x128xf32, #tpu.memory_space<hbm>> -> memref<200x128xf32, #tpu.memory_space<hbm>>
      %dma_wait3A_1116 = tpu.memref_slice %arg3[%select_n3A_1095, %mul3A_1113, %mul3A_2] : memref<20x1000x4096xf32, #tpu.memory_space<hbm>> -> memref<1x200x128xf32, #tpu.memory_space<hbm>>
      %dma_wait3A_1117 = tpu.memref_squeeze %dma_wait3A_1116 : memref<1x200x128xf32, #tpu.memory_space<hbm>> -> memref<200x128xf32, #tpu.memory_space<hbm>>
      tpu.wait_dma2 semaphore(%arg8 : memref<!tpu.dma_semaphore, #tpu.memory_space<semaphore_mem>>) src(%arg6 : memref<200x128xf32, #tpu.memory_space<vmem>>) dst(%dma_wait3A_1117 : memref<200x128xf32, #tpu.memory_space<hbm>>)
      %sub3A_1118 = arith.constant 2 : i32
      %sub3A_1119 = arith.subi %add3A_1069, %sub3A_1118 : i32
      %jit3A_1120 = arith.constant 5 : i32
      %div3A_1121 = arith.divsi %sub3A_1119, %jit3A_1120 : i32
      %sign3A_1122 = arith.constant 0 : i32
      %sign3A_1123 = arith.cmpi sgt, %sub3A_1119, %sign3A_1122 : i32
      %sign3A_1124 = arith.extui %sign3A_1123 : i1 to i32
      %sign3A_1125 = arith.constant 0 : i32
      %sign3A_1126 = arith.cmpi slt, %sub3A_1119, %sign3A_1125 : i32
      %sign3A_1127 = arith.extui %sign3A_1126 : i1 to i32
      %sign3A_1128 = arith.subi %sign3A_1124, %sign3A_1127 : i32
      %sign3A_1129 = arith.constant 0 : i32
      %sign3A_1130 = arith.cmpi sgt, %jit3A_1120, %sign3A_1129 : i32
      %sign3A_1131 = arith.extui %sign3A_1130 : i1 to i32
      %sign3A_1132 = arith.constant 0 : i32
      %sign3A_1133 = arith.cmpi slt, %jit3A_1120, %sign3A_1132 : i32
      %sign3A_1134 = arith.extui %sign3A_1133 : i1 to i32
      %sign3A_1135 = arith.subi %sign3A_1131, %sign3A_1134 : i32
      %ne3A_1136 = arith.cmpi ne, %sign3A_1128, %sign3A_1135 : i32
      %rem3A_1137 = arith.remsi %sub3A_1119, %jit3A_1120 : i32
      %ne3A_1138 = arith.constant 0 : i32
      %ne3A_1139 = arith.cmpi ne, %rem3A_1137, %ne3A_1138 : i32
      %and3A_1140 = arith.andi %ne3A_1136, %ne3A_1139 : i1
      %sub3A_1141 = arith.constant 1 : i32
      %sub3A_1142 = arith.subi %div3A_1121, %sub3A_1141 : i32
      %select_n3A_1143 = arith.select %and3A_1140, %sub3A_1142, %div3A_1121 : i32
      %jit3A_1144 = arith.constant 5 : i32
      %eq3A_1145 = arith.constant 0 : i32
      %eq3A_1146 = arith.cmpi eq, %jit3A_1144, %eq3A_1145 : i32
      %jit3A_1147 = arith.constant 1 : i32
      %select_n3A_1148 = arith.select %eq3A_1146, %jit3A_1147, %jit3A_1144 : i32
      %rem3A_1149 = arith.remsi %sub3A_1119, %select_n3A_1148 : i32
      %ne3A_1150 = arith.constant 0 : i32
      %ne3A_1151 = arith.cmpi ne, %rem3A_1149, %ne3A_1150 : i32
      %lt3A_1152 = arith.constant 0 : i32
      %lt3A_1153 = arith.cmpi slt, %rem3A_1149, %lt3A_1152 : i32
      %lt3A_1154 = arith.constant 0 : i32
      %lt3A_1155 = arith.cmpi slt, %select_n3A_1148, %lt3A_1154 : i32
      %ne3A_1156 = arith.xori %lt3A_1153, %lt3A_1155 : i1
      %and3A_1157 = arith.andi %ne3A_1156, %ne3A_1151 : i1
      %add3A_1158 = arith.addi %rem3A_1149, %select_n3A_1148 : i32
      %select_n3A_1159 = arith.select %and3A_1157, %add3A_1158, %rem3A_1149 : i32
      %mul3A_1160 = arith.constant 200 : i32
      %mul3A_1161 = arith.muli %select_n3A_1159, %mul3A_1160 : i32
      %broadcast_in_dim3A_1162 = arith.constant 0.000000e+00 : f32
      %broadcast_in_dim3A_1163 = vector.broadcast %broadcast_in_dim3A_1162 : f32 to vector<16xf32>
      %get3A_1164 = arith.index_cast %select_n3A_1143 : i32 to index
      %get3A_1165 = arith.constant 0 : index
      %get3A_1166 = tpu.vector_load %arg4[%get3A_1164, %get3A_1165] {strides = array<i32>} : memref<20x128xi32, #tpu.memory_space<vmem>>, vector<16xi32>,
      %sub3A_1167 = vector.broadcast %mul3A_1161 : i32 to vector<16xi32>
      %sub3A_1168 = arith.subi %get3A_1166, %sub3A_1167 : vector<16xi32>
      %ge3A_1169 = arith.constant 0 : i32
      %ge3A_1170 = vector.broadcast %ge3A_1169 : i32 to vector<16xi32>
      %ge3A_1171 = arith.cmpi sge, %sub3A_1168, %ge3A_1170 : vector<16xi32>
      %lt3A_1172 = arith.constant 200 : i32
      %lt3A_1173 = vector.broadcast %lt3A_1172 : i32 to vector<16xi32>
      %lt3A_1174 = arith.cmpi slt, %sub3A_1168, %lt3A_1173 : vector<16xi32>
      %and3A_1175 = arith.andi %ge3A_1171, %lt3A_1174 : vector<16xi1>
      %jit3A_1176 = arith.constant 0 : i32
      %broadcast_in_dim3A_1177 = vector.broadcast %jit3A_1176 : i32 to vector<16xi32>
      %select_n3A_1178 = arith.select %and3A_1175, %sub3A_1168, %broadcast_in_dim3A_1177 : vector<16xi1>, vector<16xi32>
      %add3A_1179 = arith.constant 0 : i32
      %add3A_1180 = vector.broadcast %add3A_1179 : i32 to vector<16xi32>
      %add3A_1181 = arith.addi %iota3A, %add3A_1180 : vector<16xi32>
      tpu.vector_store_idx %arg6[%select_n3A_1178, %add3A_1181], %broadcast_in_dim3A_1163 masked %and3A_1175 : memref<200x128xf32, #tpu.memory_space<vmem>>[vector<16xi32>, vector<16xi32>], vector<16xf32>, vector<16xi1>
      %get3A_1182 = arith.index_cast %select_n3A_1143 : i32 to index
      %get3A_1183 = arith.constant 16 : index
      %get3A_1184 = tpu.vector_load %arg4[%get3A_1182, %get3A_1183] {strides = array<i32>} : memref<20x128xi32, #tpu.memory_space<vmem>>, vector<16xi32>,
      %sub3A_1185 = vector.broadcast %mul3A_1161 : i32 to vector<16xi32>
      %sub3A_1186 = arith.subi %get3A_1184, %sub3A_1185 : vector<16xi32>
      %ge3A_1187 = arith.constant 0 : i32
      %ge3A_1188 = vector.broadcast %ge3A_1187 : i32 to vector<16xi32>
      %ge3A_1189 = arith.cmpi sge, %sub3A_1186, %ge3A_1188 : vector<16xi32>
      %lt3A_1190 = arith.constant 200 : i32
      %lt3A_1191 = vector.broadcast %lt3A_1190 : i32 to vector<16xi32>
      %lt3A_1192 = arith.cmpi slt, %sub3A_1186, %lt3A_1191 : vector<16xi32>
      %and3A_1193 = arith.andi %ge3A_1189, %lt3A_1192 : vector<16xi1>
      %jit3A_1194 = arith.constant 0 : i32
      %broadcast_in_dim3A_1195 = vector.broadcast %jit3A_1194 : i32 to vector<16xi32>
      %select_n3A_1196 = arith.select %and3A_1193, %sub3A_1186, %broadcast_in_dim3A_1195 : vector<16xi1>, vector<16xi32>
      %add3A_1197 = arith.constant 16 : i32
      %add3A_1198 = vector.broadcast %add3A_1197 : i32 to vector<16xi32>
      %add3A_1199 = arith.addi %iota3A, %add3A_1198 : vector<16xi32>
      tpu.vector_store_idx %arg6[%select_n3A_1196, %add3A_1199], %broadcast_in_dim3A_1163 masked %and3A_1193 : memref<200x128xf32, #tpu.memory_space<vmem>>[vector<16xi32>, vector<16xi32>], vector<16xf32>, vector<16xi1>
      %get3A_1200 = arith.index_cast %select_n3A_1143 : i32 to index
      %get3A_1201 = arith.constant 32 : index
      %get3A_1202 = tpu.vector_load %arg4[%get3A_1200, %get3A_1201] {strides = array<i32>} : memref<20x128xi32, #tpu.memory_space<vmem>>, vector<16xi32>,
      %sub3A_1203 = vector.broadcast %mul3A_1161 : i32 to vector<16xi32>
      %sub3A_1204 = arith.subi %get3A_1202, %sub3A_1203 : vector<16xi32>
      %ge3A_1205 = arith.constant 0 : i32
      %ge3A_1206 = vector.broadcast %ge3A_1205 : i32 to vector<16xi32>
      %ge3A_1207 = arith.cmpi sge, %sub3A_1204, %ge3A_1206 : vector<16xi32>
      %lt3A_1208 = arith.constant 200 : i32
      %lt3A_1209 = vector.broadcast %lt3A_1208 : i32 to vector<16xi32>
      %lt3A_1210 = arith.cmpi slt, %sub3A_1204, %lt3A_1209 : vector<16xi32>
      %and3A_1211 = arith.andi %ge3A_1207, %lt3A_1210 : vector<16xi1>
      %jit3A_1212 = arith.constant 0 : i32
      %broadcast_in_dim3A_1213 = vector.broadcast %jit3A_1212 : i32 to vector<16xi32>
      %select_n3A_1214 = arith.select %and3A_1211, %sub3A_1204, %broadcast_in_dim3A_1213 : vector<16xi1>, vector<16xi32>
      %add3A_1215 = arith.constant 32 : i32
      %add3A_1216 = vector.broadcast %add3A_1215 : i32 to vector<16xi32>
      %add3A_1217 = arith.addi %iota3A, %add3A_1216 : vector<16xi32>
      tpu.vector_store_idx %arg6[%select_n3A_1214, %add3A_1217], %broadcast_in_dim3A_1163 masked %and3A_1211 : memref<200x128xf32, #tpu.memory_space<vmem>>[vector<16xi32>, vector<16xi32>], vector<16xf32>, vector<16xi1>
      %get3A_1218 = arith.index_cast %select_n3A_1143 : i32 to index
      %get3A_1219 = arith.constant 48 : index
      %get3A_1220 = tpu.vector_load %arg4[%get3A_1218, %get3A_1219] {strides = array<i32>} : memref<20x128xi32, #tpu.memory_space<vmem>>, vector<16xi32>,
      %sub3A_1221 = vector.broadcast %mul3A_1161 : i32 to vector<16xi32>
      %sub3A_1222 = arith.subi %get3A_1220, %sub3A_1221 : vector<16xi32>
      %ge3A_1223 = arith.constant 0 : i32
      %ge3A_1224 = vector.broadcast %ge3A_1223 : i32 to vector<16xi32>
      %ge3A_1225 = arith.cmpi sge, %sub3A_1222, %ge3A_1224 : vector<16xi32>
      %lt3A_1226 = arith.constant 200 : i32
      %lt3A_1227 = vector.broadcast %lt3A_1226 : i32 to vector<16xi32>
      %lt3A_1228 = arith.cmpi slt, %sub3A_1222, %lt3A_1227 : vector<16xi32>
      %and3A_1229 = arith.andi %ge3A_1225, %lt3A_1228 : vector<16xi1>
      %jit3A_1230 = arith.constant 0 : i32
      %broadcast_in_dim3A_1231 = vector.broadcast %jit3A_1230 : i32 to vector<16xi32>
      %select_n3A_1232 = arith.select %and3A_1229, %sub3A_1222, %broadcast_in_dim3A_1231 : vector<16xi1>, vector<16xi32>
      %add3A_1233 = arith.constant 48 : i32
      %add3A_1234 = vector.broadcast %add3A_1233 : i32 to vector<16xi32>
      %add3A_1235 = arith.addi %iota3A, %add3A_1234 : vector<16xi32>
      tpu.vector_store_idx %arg6[%select_n3A_1232, %add3A_1235], %broadcast_in_dim3A_1163 masked %and3A_1229 : memref<200x128xf32, #tpu.memory_space<vmem>>[vector<16xi32>, vector<16xi32>], vector<16xf32>, vector<16xi1>
      %get3A_1236 = arith.index_cast %select_n3A_1143 : i32 to index
      %get3A_1237 = arith.constant 64 : index
      %get3A_1238 = tpu.vector_load %arg4[%get3A_1236, %get3A_1237] {strides = array<i32>} : memref<20x128xi32, #tpu.memory_space<vmem>>, vector<16xi32>,
      %sub3A_1239 = vector.broadcast %mul3A_1161 : i32 to vector<16xi32>
      %sub3A_1240 = arith.subi %get3A_1238, %sub3A_1239 : vector<16xi32>
      %ge3A_1241 = arith.constant 0 : i32
      %ge3A_1242 = vector.broadcast %ge3A_1241 : i32 to vector<16xi32>
      %ge3A_1243 = arith.cmpi sge, %sub3A_1240, %ge3A_1242 : vector<16xi32>
      %lt3A_1244 = arith.constant 200 : i32
      %lt3A_1245 = vector.broadcast %lt3A_1244 : i32 to vector<16xi32>
      %lt3A_1246 = arith.cmpi slt, %sub3A_1240, %lt3A_1245 : vector<16xi32>
      %and3A_1247 = arith.andi %ge3A_1243, %lt3A_1246 : vector<16xi1>
      %jit3A_1248 = arith.constant 0 : i32
      %broadcast_in_dim3A_1249 = vector.broadcast %jit3A_1248 : i32 to vector<16xi32>
      %select_n3A_1250 = arith.select %and3A_1247, %sub3A_1240, %broadcast_in_dim3A_1249 : vector<16xi1>, vector<16xi32>
      %add3A_1251 = arith.constant 64 : i32
      %add3A_1252 = vector.broadcast %add3A_1251 : i32 to vector<16xi32>
      %add3A_1253 = arith.addi %iota3A, %add3A_1252 : vector<16xi32>
      tpu.vector_store_idx %arg6[%select_n3A_1250, %add3A_1253], %broadcast_in_dim3A_1163 masked %and3A_1247 : memref<200x128xf32, #tpu.memory_space<vmem>>[vector<16xi32>, vector<16xi32>], vector<16xf32>, vector<16xi1>
      %get3A_1254 = arith.index_cast %select_n3A_1143 : i32 to index
      %get3A_1255 = arith.constant 80 : index
      %get3A_1256 = tpu.vector_load %arg4[%get3A_1254, %get3A_1255] {strides = array<i32>} : memref<20x128xi32, #tpu.memory_space<vmem>>, vector<16xi32>,
      %sub3A_1257 = vector.broadcast %mul3A_1161 : i32 to vector<16xi32>
      %sub3A_1258 = arith.subi %get3A_1256, %sub3A_1257 : vector<16xi32>
      %ge3A_1259 = arith.constant 0 : i32
      %ge3A_1260 = vector.broadcast %ge3A_1259 : i32 to vector<16xi32>
      %ge3A_1261 = arith.cmpi sge, %sub3A_1258, %ge3A_1260 : vector<16xi32>
      %lt3A_1262 = arith.constant 200 : i32
      %lt3A_1263 = vector.broadcast %lt3A_1262 : i32 to vector<16xi32>
      %lt3A_1264 = arith.cmpi slt, %sub3A_1258, %lt3A_1263 : vector<16xi32>
      %and3A_1265 = arith.andi %ge3A_1261, %lt3A_1264 : vector<16xi1>
      %jit3A_1266 = arith.constant 0 : i32
      %broadcast_in_dim3A_1267 = vector.broadcast %jit3A_1266 : i32 to vector<16xi32>
      %select_n3A_1268 = arith.select %and3A_1265, %sub3A_1258, %broadcast_in_dim3A_1267 : vector<16xi1>, vector<16xi32>
      %add3A_1269 = arith.constant 80 : i32
      %add3A_1270 = vector.broadcast %add3A_1269 : i32 to vector<16xi32>
      %add3A_1271 = arith.addi %iota3A, %add3A_1270 : vector<16xi32>
      tpu.vector_store_idx %arg6[%select_n3A_1268, %add3A_1271], %broadcast_in_dim3A_1163 masked %and3A_1265 : memref<200x128xf32, #tpu.memory_space<vmem>>[vector<16xi32>, vector<16xi32>], vector<16xf32>, vector<16xi1>
      %get3A_1272 = arith.index_cast %select_n3A_1143 : i32 to index
      %get3A_1273 = arith.constant 96 : index
      %get3A_1274 = tpu.vector_load %arg4[%get3A_1272, %get3A_1273] {strides = array<i32>} : memref<20x128xi32, #tpu.memory_space<vmem>>, vector<16xi32>,
      %sub3A_1275 = vector.broadcast %mul3A_1161 : i32 to vector<16xi32>
      %sub3A_1276 = arith.subi %get3A_1274, %sub3A_1275 : vector<16xi32>
      %ge3A_1277 = arith.constant 0 : i32
      %ge3A_1278 = vector.broadcast %ge3A_1277 : i32 to vector<16xi32>
      %ge3A_1279 = arith.cmpi sge, %sub3A_1276, %ge3A_1278 : vector<16xi32>
      %lt3A_1280 = arith.constant 200 : i32
      %lt3A_1281 = vector.broadcast %lt3A_1280 : i32 to vector<16xi32>
      %lt3A_1282 = arith.cmpi slt, %sub3A_1276, %lt3A_1281 : vector<16xi32>
      %and3A_1283 = arith.andi %ge3A_1279, %lt3A_1282 : vector<16xi1>
      %jit3A_1284 = arith.constant 0 : i32
      %broadcast_in_dim3A_1285 = vector.broadcast %jit3A_1284 : i32 to vector<16xi32>
      %select_n3A_1286 = arith.select %and3A_1283, %sub3A_1276, %broadcast_in_dim3A_1285 : vector<16xi1>, vector<16xi32>
      %add3A_1287 = arith.constant 96 : i32
      %add3A_1288 = vector.broadcast %add3A_1287 : i32 to vector<16xi32>
      %add3A_1289 = arith.addi %iota3A, %add3A_1288 : vector<16xi32>
      tpu.vector_store_idx %arg6[%select_n3A_1286, %add3A_1289], %broadcast_in_dim3A_1163 masked %and3A_1283 : memref<200x128xf32, #tpu.memory_space<vmem>>[vector<16xi32>, vector<16xi32>], vector<16xf32>, vector<16xi1>
      %get3A_1290 = arith.index_cast %select_n3A_1143 : i32 to index
      %get3A_1291 = arith.constant 112 : index
      %get3A_1292 = tpu.vector_load %arg4[%get3A_1290, %get3A_1291] {strides = array<i32>} : memref<20x128xi32, #tpu.memory_space<vmem>>, vector<16xi32>,
      %sub3A_1293 = vector.broadcast %mul3A_1161 : i32 to vector<16xi32>
      %sub3A_1294 = arith.subi %get3A_1292, %sub3A_1293 : vector<16xi32>
      %ge3A_1295 = arith.constant 0 : i32
      %ge3A_1296 = vector.broadcast %ge3A_1295 : i32 to vector<16xi32>
      %ge3A_1297 = arith.cmpi sge, %sub3A_1294, %ge3A_1296 : vector<16xi32>
      %lt3A_1298 = arith.constant 200 : i32
      %lt3A_1299 = vector.broadcast %lt3A_1298 : i32 to vector<16xi32>
      %lt3A_1300 = arith.cmpi slt, %sub3A_1294, %lt3A_1299 : vector<16xi32>
      %and3A_1301 = arith.andi %ge3A_1297, %lt3A_1300 : vector<16xi1>
      %jit3A_1302 = arith.constant 0 : i32
      %broadcast_in_dim3A_1303 = vector.broadcast %jit3A_1302 : i32 to vector<16xi32>
      %select_n3A_1304 = arith.select %and3A_1301, %sub3A_1294, %broadcast_in_dim3A_1303 : vector<16xi1>, vector<16xi32>
      %add3A_1305 = arith.constant 112 : i32
      %add3A_1306 = vector.broadcast %add3A_1305 : i32 to vector<16xi32>
      %add3A_1307 = arith.addi %iota3A, %add3A_1306 : vector<16xi32>
      tpu.vector_store_idx %arg6[%select_n3A_1304, %add3A_1307], %broadcast_in_dim3A_1163 masked %and3A_1301 : memref<200x128xf32, #tpu.memory_space<vmem>>[vector<16xi32>, vector<16xi32>], vector<16xf32>, vector<16xi1>
      %jit3A_1308 = arith.constant 5 : i32
      %div3A_1309 = arith.divsi %add3A_1069, %jit3A_1308 : i32
      %sign3A_1310 = arith.constant 0 : i32
      %sign3A_1311 = arith.cmpi sgt, %add3A_1069, %sign3A_1310 : i32
      %sign3A_1312 = arith.extui %sign3A_1311 : i1 to i32
      %sign3A_1313 = arith.constant 0 : i32
      %sign3A_1314 = arith.cmpi slt, %add3A_1069, %sign3A_1313 : i32
      %sign3A_1315 = arith.extui %sign3A_1314 : i1 to i32
      %sign3A_1316 = arith.subi %sign3A_1312, %sign3A_1315 : i32
      %sign3A_1317 = arith.constant 0 : i32
      %sign3A_1318 = arith.cmpi sgt, %jit3A_1308, %sign3A_1317 : i32
      %sign3A_1319 = arith.extui %sign3A_1318 : i1 to i32
      %sign3A_1320 = arith.constant 0 : i32
      %sign3A_1321 = arith.cmpi slt, %jit3A_1308, %sign3A_1320 : i32
      %sign3A_1322 = arith.extui %sign3A_1321 : i1 to i32
      %sign3A_1323 = arith.subi %sign3A_1319, %sign3A_1322 : i32
      %ne3A_1324 = arith.cmpi ne, %sign3A_1316, %sign3A_1323 : i32
      %rem3A_1325 = arith.remsi %add3A_1069, %jit3A_1308 : i32
      %ne3A_1326 = arith.constant 0 : i32
      %ne3A_1327 = arith.cmpi ne, %rem3A_1325, %ne3A_1326 : i32
      %and3A_1328 = arith.andi %ne3A_1324, %ne3A_1327 : i1
      %sub3A_1329 = arith.constant 1 : i32
      %sub3A_1330 = arith.subi %div3A_1309, %sub3A_1329 : i32
      %select_n3A_1331 = arith.select %and3A_1328, %sub3A_1330, %div3A_1309 : i32
      %jit3A_1332 = arith.constant 5 : i32
      %eq3A_1333 = arith.constant 0 : i32
      %eq3A_1334 = arith.cmpi eq, %jit3A_1332, %eq3A_1333 : i32
      %jit3A_1335 = arith.constant 1 : i32
      %select_n3A_1336 = arith.select %eq3A_1334, %jit3A_1335, %jit3A_1332 : i32
      %rem3A_1337 = arith.remsi %add3A_1069, %select_n3A_1336 : i32
      %ne3A_1338 = arith.constant 0 : i32
      %ne3A_1339 = arith.cmpi ne, %rem3A_1337, %ne3A_1338 : i32
      %lt3A_1340 = arith.constant 0 : i32
      %lt3A_1341 = arith.cmpi slt, %rem3A_1337, %lt3A_1340 : i32
      %lt3A_1342 = arith.constant 0 : i32
      %lt3A_1343 = arith.cmpi slt, %select_n3A_1336, %lt3A_1342 : i32
      %ne3A_1344 = arith.xori %lt3A_1341, %lt3A_1343 : i1
      %and3A_1345 = arith.andi %ne3A_1344, %ne3A_1339 : i1
      %add3A_1346 = arith.addi %rem3A_1337, %select_n3A_1336 : i32
      %select_n3A_1347 = arith.select %and3A_1345, %add3A_1346, %rem3A_1337 : i32
      %mul3A_1348 = arith.constant 200 : i32
      %mul3A_1349 = arith.muli %select_n3A_1347, %mul3A_1348 : i32
      %broadcast_in_dim3A_1350 = arith.constant 1.000000e+00 : f32
      %broadcast_in_dim3A_1351 = vector.broadcast %broadcast_in_dim3A_1350 : f32 to vector<16xf32>
      %get3A_1352 = arith.index_cast %select_n3A_1331 : i32 to index
      %get3A_1353 = arith.constant 0 : index
      %get3A_1354 = tpu.vector_load %arg4[%get3A_1352, %get3A_1353] {strides = array<i32>} : memref<20x128xi32, #tpu.memory_space<vmem>>, vector<16xi32>,
      %sub3A_1355 = vector.broadcast %mul3A_1349 : i32 to vector<16xi32>
      %sub3A_1356 = arith.subi %get3A_1354, %sub3A_1355 : vector<16xi32>
      %ge3A_1357 = arith.constant 0 : i32
      %ge3A_1358 = vector.broadcast %ge3A_1357 : i32 to vector<16xi32>
      %ge3A_1359 = arith.cmpi sge, %sub3A_1356, %ge3A_1358 : vector<16xi32>
      %lt3A_1360 = arith.constant 200 : i32
      %lt3A_1361 = vector.broadcast %lt3A_1360 : i32 to vector<16xi32>
      %lt3A_1362 = arith.cmpi slt, %sub3A_1356, %lt3A_1361 : vector<16xi32>
      %and3A_1363 = arith.andi %ge3A_1359, %lt3A_1362 : vector<16xi1>
      %jit3A_1364 = arith.constant 0 : i32
      %broadcast_in_dim3A_1365 = vector.broadcast %jit3A_1364 : i32 to vector<16xi32>
      %select_n3A_1366 = arith.select %and3A_1363, %sub3A_1356, %broadcast_in_dim3A_1365 : vector<16xi1>, vector<16xi32>
      %add3A_1367 = arith.constant 0 : i32
      %add3A_1368 = vector.broadcast %add3A_1367 : i32 to vector<16xi32>
      %add3A_1369 = arith.addi %iota3A, %add3A_1368 : vector<16xi32>
      tpu.vector_store_idx %arg6[%select_n3A_1366, %add3A_1369], %broadcast_in_dim3A_1351 masked %and3A_1363 : memref<200x128xf32, #tpu.memory_space<vmem>>[vector<16xi32>, vector<16xi32>], vector<16xf32>, vector<16xi1>
      %get3A_1370 = arith.index_cast %select_n3A_1331 : i32 to index
      %get3A_1371 = arith.constant 16 : index
      %get3A_1372 = tpu.vector_load %arg4[%get3A_1370, %get3A_1371] {strides = array<i32>} : memref<20x128xi32, #tpu.memory_space<vmem>>, vector<16xi32>,
      %sub3A_1373 = vector.broadcast %mul3A_1349 : i32 to vector<16xi32>
      %sub3A_1374 = arith.subi %get3A_1372, %sub3A_1373 : vector<16xi32>
      %ge3A_1375 = arith.constant 0 : i32
      %ge3A_1376 = vector.broadcast %ge3A_1375 : i32 to vector<16xi32>
      %ge3A_1377 = arith.cmpi sge, %sub3A_1374, %ge3A_1376 : vector<16xi32>
      %lt3A_1378 = arith.constant 200 : i32
      %lt3A_1379 = vector.broadcast %lt3A_1378 : i32 to vector<16xi32>
      %lt3A_1380 = arith.cmpi slt, %sub3A_1374, %lt3A_1379 : vector<16xi32>
      %and3A_1381 = arith.andi %ge3A_1377, %lt3A_1380 : vector<16xi1>
      %jit3A_1382 = arith.constant 0 : i32
      %broadcast_in_dim3A_1383 = vector.broadcast %jit3A_1382 : i32 to vector<16xi32>
      %select_n3A_1384 = arith.select %and3A_1381, %sub3A_1374, %broadcast_in_dim3A_1383 : vector<16xi1>, vector<16xi32>
      %add3A_1385 = arith.constant 16 : i32
      %add3A_1386 = vector.broadcast %add3A_1385 : i32 to vector<16xi32>
      %add3A_1387 = arith.addi %iota3A, %add3A_1386 : vector<16xi32>
      tpu.vector_store_idx %arg6[%select_n3A_1384, %add3A_1387], %broadcast_in_dim3A_1351 masked %and3A_1381 : memref<200x128xf32, #tpu.memory_space<vmem>>[vector<16xi32>, vector<16xi32>], vector<16xf32>, vector<16xi1>
      %get3A_1388 = arith.index_cast %select_n3A_1331 : i32 to index
      %get3A_1389 = arith.constant 32 : index
      %get3A_1390 = tpu.vector_load %arg4[%get3A_1388, %get3A_1389] {strides = array<i32>} : memref<20x128xi32, #tpu.memory_space<vmem>>, vector<16xi32>,
      %sub3A_1391 = vector.broadcast %mul3A_1349 : i32 to vector<16xi32>
      %sub3A_1392 = arith.subi %get3A_1390, %sub3A_1391 : vector<16xi32>
      %ge3A_1393 = arith.constant 0 : i32
      %ge3A_1394 = vector.broadcast %ge3A_1393 : i32 to vector<16xi32>
      %ge3A_1395 = arith.cmpi sge, %sub3A_1392, %ge3A_1394 : vector<16xi32>
      %lt3A_1396 = arith.constant 200 : i32
      %lt3A_1397 = vector.broadcast %lt3A_1396 : i32 to vector<16xi32>
      %lt3A_1398 = arith.cmpi slt, %sub3A_1392, %lt3A_1397 : vector<16xi32>
      %and3A_1399 = arith.andi %ge3A_1395, %lt3A_1398 : vector<16xi1>
      %jit3A_1400 = arith.constant 0 : i32
      %broadcast_in_dim3A_1401 = vector.broadcast %jit3A_1400 : i32 to vector<16xi32>
      %select_n3A_1402 = arith.select %and3A_1399, %sub3A_1392, %broadcast_in_dim3A_1401 : vector<16xi1>, vector<16xi32>
      %add3A_1403 = arith.constant 32 : i32
      %add3A_1404 = vector.broadcast %add3A_1403 : i32 to vector<16xi32>
      %add3A_1405 = arith.addi %iota3A, %add3A_1404 : vector<16xi32>
      tpu.vector_store_idx %arg6[%select_n3A_1402, %add3A_1405], %broadcast_in_dim3A_1351 masked %and3A_1399 : memref<200x128xf32, #tpu.memory_space<vmem>>[vector<16xi32>, vector<16xi32>], vector<16xf32>, vector<16xi1>
      %get3A_1406 = arith.index_cast %select_n3A_1331 : i32 to index
      %get3A_1407 = arith.constant 48 : index
      %get3A_1408 = tpu.vector_load %arg4[%get3A_1406, %get3A_1407] {strides = array<i32>} : memref<20x128xi32, #tpu.memory_space<vmem>>, vector<16xi32>,
      %sub3A_1409 = vector.broadcast %mul3A_1349 : i32 to vector<16xi32>
      %sub3A_1410 = arith.subi %get3A_1408, %sub3A_1409 : vector<16xi32>
      %ge3A_1411 = arith.constant 0 : i32
      %ge3A_1412 = vector.broadcast %ge3A_1411 : i32 to vector<16xi32>
      %ge3A_1413 = arith.cmpi sge, %sub3A_1410, %ge3A_1412 : vector<16xi32>
      %lt3A_1414 = arith.constant 200 : i32
      %lt3A_1415 = vector.broadcast %lt3A_1414 : i32 to vector<16xi32>
      %lt3A_1416 = arith.cmpi slt, %sub3A_1410, %lt3A_1415 : vector<16xi32>
      %and3A_1417 = arith.andi %ge3A_1413, %lt3A_1416 : vector<16xi1>
      %jit3A_1418 = arith.constant 0 : i32
      %broadcast_in_dim3A_1419 = vector.broadcast %jit3A_1418 : i32 to vector<16xi32>
      %select_n3A_1420 = arith.select %and3A_1417, %sub3A_1410, %broadcast_in_dim3A_1419 : vector<16xi1>, vector<16xi32>
      %add3A_1421 = arith.constant 48 : i32
      %add3A_1422 = vector.broadcast %add3A_1421 : i32 to vector<16xi32>
      %add3A_1423 = arith.addi %iota3A, %add3A_1422 : vector<16xi32>
      tpu.vector_store_idx %arg6[%select_n3A_1420, %add3A_1423], %broadcast_in_dim3A_1351 masked %and3A_1417 : memref<200x128xf32, #tpu.memory_space<vmem>>[vector<16xi32>, vector<16xi32>], vector<16xf32>, vector<16xi1>
      %get3A_1424 = arith.index_cast %select_n3A_1331 : i32 to index
      %get3A_1425 = arith.constant 64 : index
      %get3A_1426 = tpu.vector_load %arg4[%get3A_1424, %get3A_1425] {strides = array<i32>} : memref<20x128xi32, #tpu.memory_space<vmem>>, vector<16xi32>,
      %sub3A_1427 = vector.broadcast %mul3A_1349 : i32 to vector<16xi32>
      %sub3A_1428 = arith.subi %get3A_1426, %sub3A_1427 : vector<16xi32>
      %ge3A_1429 = arith.constant 0 : i32
      %ge3A_1430 = vector.broadcast %ge3A_1429 : i32 to vector<16xi32>
      %ge3A_1431 = arith.cmpi sge, %sub3A_1428, %ge3A_1430 : vector<16xi32>
      %lt3A_1432 = arith.constant 200 : i32
      %lt3A_1433 = vector.broadcast %lt3A_1432 : i32 to vector<16xi32>
      %lt3A_1434 = arith.cmpi slt, %sub3A_1428, %lt3A_1433 : vector<16xi32>
      %and3A_1435 = arith.andi %ge3A_1431, %lt3A_1434 : vector<16xi1>
      %jit3A_1436 = arith.constant 0 : i32
      %broadcast_in_dim3A_1437 = vector.broadcast %jit3A_1436 : i32 to vector<16xi32>
      %select_n3A_1438 = arith.select %and3A_1435, %sub3A_1428, %broadcast_in_dim3A_1437 : vector<16xi1>, vector<16xi32>
      %add3A_1439 = arith.constant 64 : i32
      %add3A_1440 = vector.broadcast %add3A_1439 : i32 to vector<16xi32>
      %add3A_1441 = arith.addi %iota3A, %add3A_1440 : vector<16xi32>
      tpu.vector_store_idx %arg6[%select_n3A_1438, %add3A_1441], %broadcast_in_dim3A_1351 masked %and3A_1435 : memref<200x128xf32, #tpu.memory_space<vmem>>[vector<16xi32>, vector<16xi32>], vector<16xf32>, vector<16xi1>
      %get3A_1442 = arith.index_cast %select_n3A_1331 : i32 to index
      %get3A_1443 = arith.constant 80 : index
      %get3A_1444 = tpu.vector_load %arg4[%get3A_1442, %get3A_1443] {strides = array<i32>} : memref<20x128xi32, #tpu.memory_space<vmem>>, vector<16xi32>,
      %sub3A_1445 = vector.broadcast %mul3A_1349 : i32 to vector<16xi32>
      %sub3A_1446 = arith.subi %get3A_1444, %sub3A_1445 : vector<16xi32>
      %ge3A_1447 = arith.constant 0 : i32
      %ge3A_1448 = vector.broadcast %ge3A_1447 : i32 to vector<16xi32>
      %ge3A_1449 = arith.cmpi sge, %sub3A_1446, %ge3A_1448 : vector<16xi32>
      %lt3A_1450 = arith.constant 200 : i32
      %lt3A_1451 = vector.broadcast %lt3A_1450 : i32 to vector<16xi32>
      %lt3A_1452 = arith.cmpi slt, %sub3A_1446, %lt3A_1451 : vector<16xi32>
      %and3A_1453 = arith.andi %ge3A_1449, %lt3A_1452 : vector<16xi1>
      %jit3A_1454 = arith.constant 0 : i32
      %broadcast_in_dim3A_1455 = vector.broadcast %jit3A_1454 : i32 to vector<16xi32>
      %select_n3A_1456 = arith.select %and3A_1453, %sub3A_1446, %broadcast_in_dim3A_1455 : vector<16xi1>, vector<16xi32>
      %add3A_1457 = arith.constant 80 : i32
      %add3A_1458 = vector.broadcast %add3A_1457 : i32 to vector<16xi32>
      %add3A_1459 = arith.addi %iota3A, %add3A_1458 : vector<16xi32>
      tpu.vector_store_idx %arg6[%select_n3A_1456, %add3A_1459], %broadcast_in_dim3A_1351 masked %and3A_1453 : memref<200x128xf32, #tpu.memory_space<vmem>>[vector<16xi32>, vector<16xi32>], vector<16xf32>, vector<16xi1>
      %get3A_1460 = arith.index_cast %select_n3A_1331 : i32 to index
      %get3A_1461 = arith.constant 96 : index
      %get3A_1462 = tpu.vector_load %arg4[%get3A_1460, %get3A_1461] {strides = array<i32>} : memref<20x128xi32, #tpu.memory_space<vmem>>, vector<16xi32>,
      %sub3A_1463 = vector.broadcast %mul3A_1349 : i32 to vector<16xi32>
      %sub3A_1464 = arith.subi %get3A_1462, %sub3A_1463 : vector<16xi32>
      %ge3A_1465 = arith.constant 0 : i32
      %ge3A_1466 = vector.broadcast %ge3A_1465 : i32 to vector<16xi32>
      %ge3A_1467 = arith.cmpi sge, %sub3A_1464, %ge3A_1466 : vector<16xi32>
      %lt3A_1468 = arith.constant 200 : i32
      %lt3A_1469 = vector.broadcast %lt3A_1468 : i32 to vector<16xi32>
      %lt3A_1470 = arith.cmpi slt, %sub3A_1464, %lt3A_1469 : vector<16xi32>
      %and3A_1471 = arith.andi %ge3A_1467, %lt3A_1470 : vector<16xi1>
      %jit3A_1472 = arith.constant 0 : i32
      %broadcast_in_dim3A_1473 = vector.broadcast %jit3A_1472 : i32 to vector<16xi32>
      %select_n3A_1474 = arith.select %and3A_1471, %sub3A_1464, %broadcast_in_dim3A_1473 : vector<16xi1>, vector<16xi32>
      %add3A_1475 = arith.constant 96 : i32
      %add3A_1476 = vector.broadcast %add3A_1475 : i32 to vector<16xi32>
      %add3A_1477 = arith.addi %iota3A, %add3A_1476 : vector<16xi32>
      tpu.vector_store_idx %arg6[%select_n3A_1474, %add3A_1477], %broadcast_in_dim3A_1351 masked %and3A_1471 : memref<200x128xf32, #tpu.memory_space<vmem>>[vector<16xi32>, vector<16xi32>], vector<16xf32>, vector<16xi1>
      %get3A_1478 = arith.index_cast %select_n3A_1331 : i32 to index
      %get3A_1479 = arith.constant 112 : index
      %get3A_1480 = tpu.vector_load %arg4[%get3A_1478, %get3A_1479] {strides = array<i32>} : memref<20x128xi32, #tpu.memory_space<vmem>>, vector<16xi32>,
      %sub3A_1481 = vector.broadcast %mul3A_1349 : i32 to vector<16xi32>
      %sub3A_1482 = arith.subi %get3A_1480, %sub3A_1481 : vector<16xi32>
      %ge3A_1483 = arith.constant 0 : i32
      %ge3A_1484 = vector.broadcast %ge3A_1483 : i32 to vector<16xi32>
      %ge3A_1485 = arith.cmpi sge, %sub3A_1482, %ge3A_1484 : vector<16xi32>
      %lt3A_1486 = arith.constant 200 : i32
      %lt3A_1487 = vector.broadcast %lt3A_1486 : i32 to vector<16xi32>
      %lt3A_1488 = arith.cmpi slt, %sub3A_1482, %lt3A_1487 : vector<16xi32>
      %and3A_1489 = arith.andi %ge3A_1485, %lt3A_1488 : vector<16xi1>
      %jit3A_1490 = arith.constant 0 : i32
      %broadcast_in_dim3A_1491 = vector.broadcast %jit3A_1490 : i32 to vector<16xi32>
      %select_n3A_1492 = arith.select %and3A_1489, %sub3A_1482, %broadcast_in_dim3A_1491 : vector<16xi1>, vector<16xi32>
      %add3A_1493 = arith.constant 112 : i32
      %add3A_1494 = vector.broadcast %add3A_1493 : i32 to vector<16xi32>
      %add3A_1495 = arith.addi %iota3A, %add3A_1494 : vector<16xi32>
      tpu.vector_store_idx %arg6[%select_n3A_1492, %add3A_1495], %broadcast_in_dim3A_1351 masked %and3A_1489 : memref<200x128xf32, #tpu.memory_space<vmem>>[vector<16xi32>, vector<16xi32>], vector<16xf32>, vector<16xi1>
      %jit3A_1496 = arith.constant 5 : i32
      %div3A_1497 = arith.divsi %add3A_1069, %jit3A_1496 : i32
      %sign3A_1498 = arith.constant 0 : i32
      %sign3A_1499 = arith.cmpi sgt, %add3A_1069, %sign3A_1498 : i32
      %sign3A_1500 = arith.extui %sign3A_1499 : i1 to i32
      %sign3A_1501 = arith.constant 0 : i32
      %sign3A_1502 = arith.cmpi slt, %add3A_1069, %sign3A_1501 : i32
      %sign3A_1503 = arith.extui %sign3A_1502 : i1 to i32
      %sign3A_1504 = arith.subi %sign3A_1500, %sign3A_1503 : i32
      %sign3A_1505 = arith.constant 0 : i32
      %sign3A_1506 = arith.cmpi sgt, %jit3A_1496, %sign3A_1505 : i32
      %sign3A_1507 = arith.extui %sign3A_1506 : i1 to i32
      %sign3A_1508 = arith.constant 0 : i32
      %sign3A_1509 = arith.cmpi slt, %jit3A_1496, %sign3A_1508 : i32
      %sign3A_1510 = arith.extui %sign3A_1509 : i1 to i32
      %sign3A_1511 = arith.subi %sign3A_1507, %sign3A_1510 : i32
      %ne3A_1512 = arith.cmpi ne, %sign3A_1504, %sign3A_1511 : i32
      %rem3A_1513 = arith.remsi %add3A_1069, %jit3A_1496 : i32
      %ne3A_1514 = arith.constant 0 : i32
      %ne3A_1515 = arith.cmpi ne, %rem3A_1513, %ne3A_1514 : i32
      %and3A_1516 = arith.andi %ne3A_1512, %ne3A_1515 : i1
      %sub3A_1517 = arith.constant 1 : i32
      %sub3A_1518 = arith.subi %div3A_1497, %sub3A_1517 : i32
      %select_n3A_1519 = arith.select %and3A_1516, %sub3A_1518, %div3A_1497 : i32
      %jit3A_1520 = arith.constant 5 : i32
      %eq3A_1521 = arith.constant 0 : i32
      %eq3A_1522 = arith.cmpi eq, %jit3A_1520, %eq3A_1521 : i32
      %jit3A_1523 = arith.constant 1 : i32
      %select_n3A_1524 = arith.select %eq3A_1522, %jit3A_1523, %jit3A_1520 : i32
      %rem3A_1525 = arith.remsi %add3A_1069, %select_n3A_1524 : i32
      %ne3A_1526 = arith.constant 0 : i32
      %ne3A_1527 = arith.cmpi ne, %rem3A_1525, %ne3A_1526 : i32
      %lt3A_1528 = arith.constant 0 : i32
      %lt3A_1529 = arith.cmpi slt, %rem3A_1525, %lt3A_1528 : i32
      %lt3A_1530 = arith.constant 0 : i32
      %lt3A_1531 = arith.cmpi slt, %select_n3A_1524, %lt3A_1530 : i32
      %ne3A_1532 = arith.xori %lt3A_1529, %lt3A_1531 : i1
      %and3A_1533 = arith.andi %ne3A_1532, %ne3A_1527 : i1
      %add3A_1534 = arith.addi %rem3A_1525, %select_n3A_1524 : i32
      %select_n3A_1535 = arith.select %and3A_1533, %add3A_1534, %rem3A_1525 : i32
      %mul3A_1536 = arith.constant 200 : i32
      %mul3A_1537 = arith.muli %select_n3A_1535, %mul3A_1536 : i32
      %dma_start3A_1538 = tpu.memref_slice %arg3[%select_n3A_1519, %mul3A_1537, %mul3A_2] : memref<20x1000x4096xf32, #tpu.memory_space<hbm>> -> memref<1x200x128xf32, #tpu.memory_space<hbm>>
      %dma_start3A_1539 = tpu.memref_squeeze %dma_start3A_1538 : memref<1x200x128xf32, #tpu.memory_space<hbm>> -> memref<200x128xf32, #tpu.memory_space<hbm>>
      %dma_start3A_1540 = tpu.memref_slice %arg3[%select_n3A_1519, %mul3A_1537, %mul3A_2] : memref<20x1000x4096xf32, #tpu.memory_space<hbm>> -> memref<1x200x128xf32, #tpu.memory_space<hbm>>
      %dma_start3A_1541 = tpu.memref_squeeze %dma_start3A_1540 : memref<1x200x128xf32, #tpu.memory_space<hbm>> -> memref<200x128xf32, #tpu.memory_space<hbm>>
      tpu.enqueue_dma source(%arg6 : memref<200x128xf32, #tpu.memory_space<vmem>>) target(%dma_start3A_1541 : memref<200x128xf32, #tpu.memory_space<hbm>>) target_semaphore(%arg8 : memref<!tpu.dma_semaphore, #tpu.memory_space<semaphore_mem>>)
      %scan3A_1542 = arith.constant 0 : i32
      scf.yield %scan3A_1542 : i32
    }
    %scan3A_493 = arith.constant 49 : i32
    %jit3A_494 = arith.constant 98 : i32
    %jit3A_495 = arith.constant 5 : i32
    %div3A_496 = arith.divsi %jit3A_494, %jit3A_495 : i32
    %sign3A_497 = arith.constant 0 : i32
    %sign3A_498 = arith.cmpi sgt, %jit3A_494, %sign3A_497 : i32
    %sign3A_499 = arith.extui %sign3A_498 : i1 to i32
    %sign3A_500 = arith.constant 0 : i32
    %sign3A_501 = arith.cmpi slt, %jit3A_494, %sign3A_500 : i32
    %sign3A_502 = arith.extui %sign3A_501 : i1 to i32
    %sign3A_503 = arith.subi %sign3A_499, %sign3A_502 : i32
    %sign3A_504 = arith.constant 0 : i32
    %sign3A_505 = arith.cmpi sgt, %jit3A_495, %sign3A_504 : i32
    %sign3A_506 = arith.extui %sign3A_505 : i1 to i32
    %sign3A_507 = arith.constant 0 : i32
    %sign3A_508 = arith.cmpi slt, %jit3A_495, %sign3A_507 : i32
    %sign3A_509 = arith.extui %sign3A_508 : i1 to i32
    %sign3A_510 = arith.subi %sign3A_506, %sign3A_509 : i32
    %ne3A_511 = arith.cmpi ne, %sign3A_503, %sign3A_510 : i32
    %rem3A_512 = arith.remsi %jit3A_494, %jit3A_495 : i32
    %ne3A_513 = arith.constant 0 : i32
    %ne3A_514 = arith.cmpi ne, %rem3A_512, %ne3A_513 : i32
    %and3A_515 = arith.andi %ne3A_511, %ne3A_514 : i1
    %sub3A_516 = arith.constant 1 : i32
    %sub3A_517 = arith.subi %div3A_496, %sub3A_516 : i32
    %select_n3A_518 = arith.select %and3A_515, %sub3A_517, %div3A_496 : i32
    %jit3A_519 = arith.constant 98 : i32
    %jit3A_520 = arith.constant 5 : i32
    %eq3A_521 = arith.constant 0 : i32
    %eq3A_522 = arith.cmpi eq, %jit3A_520, %eq3A_521 : i32
    %jit3A_523 = arith.constant 1 : i32
    %select_n3A_524 = arith.select %eq3A_522, %jit3A_523, %jit3A_520 : i32
    %rem3A_525 = arith.remsi %jit3A_519, %select_n3A_524 : i32
    %ne3A_526 = arith.constant 0 : i32
    %ne3A_527 = arith.cmpi ne, %rem3A_525, %ne3A_526 : i32
    %lt3A_528 = arith.constant 0 : i32
    %lt3A_529 = arith.cmpi slt, %rem3A_525, %lt3A_528 : i32
    %lt3A_530 = arith.constant 0 : i32
    %lt3A_531 = arith.cmpi slt, %select_n3A_524, %lt3A_530 : i32
    %ne3A_532 = arith.xori %lt3A_529, %lt3A_531 : i1
    %and3A_533 = arith.andi %ne3A_532, %ne3A_527 : i1
    %add3A_534 = arith.addi %rem3A_525, %select_n3A_524 : i32
    %select_n3A_535 = arith.select %and3A_533, %add3A_534, %rem3A_525 : i32
    %mul3A_536 = arith.constant 200 : i32
    %mul3A_537 = arith.muli %select_n3A_535, %mul3A_536 : i32
    %dma_wait3A_538 = tpu.memref_slice %arg3[%select_n3A_518, %mul3A_537, %mul3A_2] : memref<20x1000x4096xf32, #tpu.memory_space<hbm>> -> memref<1x200x128xf32, #tpu.memory_space<hbm>>
    %dma_wait3A_539 = tpu.memref_squeeze %dma_wait3A_538 : memref<1x200x128xf32, #tpu.memory_space<hbm>> -> memref<200x128xf32, #tpu.memory_space<hbm>>
    %dma_wait3A_540 = tpu.memref_slice %arg3[%select_n3A_518, %mul3A_537, %mul3A_2] : memref<20x1000x4096xf32, #tpu.memory_space<hbm>> -> memref<1x200x128xf32, #tpu.memory_space<hbm>>
    %dma_wait3A_541 = tpu.memref_squeeze %dma_wait3A_540 : memref<1x200x128xf32, #tpu.memory_space<hbm>> -> memref<200x128xf32, #tpu.memory_space<hbm>>
    tpu.wait_dma2 semaphore(%arg7 : memref<!tpu.dma_semaphore, #tpu.memory_space<semaphore_mem>>) src(%arg5 : memref<200x128xf32, #tpu.memory_space<vmem>>) dst(%dma_wait3A_541 : memref<200x128xf32, #tpu.memory_space<hbm>>)
    %jit3A_542 = arith.constant 99 : i32
    %jit3A_543 = arith.constant 5 : i32
    %div3A_544 = arith.divsi %jit3A_542, %jit3A_543 : i32
    %sign3A_545 = arith.constant 0 : i32
    %sign3A_546 = arith.cmpi sgt, %jit3A_542, %sign3A_545 : i32
    %sign3A_547 = arith.extui %sign3A_546 : i1 to i32
    %sign3A_548 = arith.constant 0 : i32
    %sign3A_549 = arith.cmpi slt, %jit3A_542, %sign3A_548 : i32
    %sign3A_550 = arith.extui %sign3A_549 : i1 to i32
    %sign3A_551 = arith.subi %sign3A_547, %sign3A_550 : i32
    %sign3A_552 = arith.constant 0 : i32
    %sign3A_553 = arith.cmpi sgt, %jit3A_543, %sign3A_552 : i32
    %sign3A_554 = arith.extui %sign3A_553 : i1 to i32
    %sign3A_555 = arith.constant 0 : i32
    %sign3A_556 = arith.cmpi slt, %jit3A_543, %sign3A_555 : i32
    %sign3A_557 = arith.extui %sign3A_556 : i1 to i32
    %sign3A_558 = arith.subi %sign3A_554, %sign3A_557 : i32
    %ne3A_559 = arith.cmpi ne, %sign3A_551, %sign3A_558 : i32
    %rem3A_560 = arith.remsi %jit3A_542, %jit3A_543 : i32
    %ne3A_561 = arith.constant 0 : i32
    %ne3A_562 = arith.cmpi ne, %rem3A_560, %ne3A_561 : i32
    %and3A_563 = arith.andi %ne3A_559, %ne3A_562 : i1
    %sub3A_564 = arith.constant 1 : i32
    %sub3A_565 = arith.subi %div3A_544, %sub3A_564 : i32
    %select_n3A_566 = arith.select %and3A_563, %sub3A_565, %div3A_544 : i32
    %jit3A_567 = arith.constant 99 : i32
    %jit3A_568 = arith.constant 5 : i32
    %eq3A_569 = arith.constant 0 : i32
    %eq3A_570 = arith.cmpi eq, %jit3A_568, %eq3A_569 : i32
    %jit3A_571 = arith.constant 1 : i32
    %select_n3A_572 = arith.select %eq3A_570, %jit3A_571, %jit3A_568 : i32
    %rem3A_573 = arith.remsi %jit3A_567, %select_n3A_572 : i32
    %ne3A_574 = arith.constant 0 : i32
    %ne3A_575 = arith.cmpi ne, %rem3A_573, %ne3A_574 : i32
    %lt3A_576 = arith.constant 0 : i32
    %lt3A_577 = arith.cmpi slt, %rem3A_573, %lt3A_576 : i32
    %lt3A_578 = arith.constant 0 : i32
    %lt3A_579 = arith.cmpi slt, %select_n3A_572, %lt3A_578 : i32
    %ne3A_580 = arith.xori %lt3A_577, %lt3A_579 : i1
    %and3A_581 = arith.andi %ne3A_580, %ne3A_575 : i1
    %add3A_582 = arith.addi %rem3A_573, %select_n3A_572 : i32
    %select_n3A_583 = arith.select %and3A_581, %add3A_582, %rem3A_573 : i32
    %mul3A_584 = arith.constant 200 : i32
    %mul3A_585 = arith.muli %select_n3A_583, %mul3A_584 : i32
    %dma_wait3A_586 = tpu.memref_slice %arg3[%select_n3A_566, %mul3A_585, %mul3A_2] : memref<20x1000x4096xf32, #tpu.memory_space<hbm>> -> memref<1x200x128xf32, #tpu.memory_space<hbm>>
    %dma_wait3A_587 = tpu.memref_squeeze %dma_wait3A_586 : memref<1x200x128xf32, #tpu.memory_space<hbm>> -> memref<200x128xf32, #tpu.memory_space<hbm>>
    %dma_wait3A_588 = tpu.memref_slice %arg3[%select_n3A_566, %mul3A_585, %mul3A_2] : memref<20x1000x4096xf32, #tpu.memory_space<hbm>> -> memref<1x200x128xf32, #tpu.memory_space<hbm>>
    %dma_wait3A_589 = tpu.memref_squeeze %dma_wait3A_588 : memref<1x200x128xf32, #tpu.memory_space<hbm>> -> memref<200x128xf32, #tpu.memory_space<hbm>>
    tpu.wait_dma2 semaphore(%arg8 : memref<!tpu.dma_semaphore, #tpu.memory_space<semaphore_mem>>) src(%arg6 : memref<200x128xf32, #tpu.memory_space<vmem>>) dst(%dma_wait3A_589 : memref<200x128xf32, #tpu.memory_space<hbm>>)
    return
  }
}

</mosaic_0001>

<sc_bundles>
// kernel: kernel.3.cloned.1.call-start
scs
__scs_entry_jumppad:
0x0: {  	(pc) =	sbr.rel $0x88, $3  }
0x1: {  	(tag) =	ssettag $0x0;
	lr =	simm.s32 $0x1  }
0x2: {  	[smem:$0x3FA0] =	sst lr;
	_ =	strace $0xD0000000  }
0x3: {  	_ = 	snop  }
0x4: {  	_ = 	snop  }
0x5: {  	_ = 	snop  }
0x6: {  	_ = 	snop  }
0x7: {  	_ = 	snop  }
__scs_overlays_trampoline_lowered:
0x8: {  	[smem:$0x3FAF] =	sst s0  }
0x9: {  	[smem:$0x3FB0] =	sst s1  }
0xa: {  	[smem:$0x3FB1] =	sst s2  }
0xb: {  	[smem:$0x3FB2] =	sst s3  }
0xc: {  	[smem:$0x3FB3] =	sst s4  }
0xd: {  	[smem:$0x3FB4] =	sst s5  }
0xe: {  	[smem:$0x3FB5] =	sst s6  }
0xf: {  	[smem:$0x3FB6] =	sst s7  }
0x10: {  	[smem:$0x3FB7] =	sst s8  }
0x11: {  	[smem:$0x3FB8] =	sst s9;
	s0 =	simm.s32 @!p0 $0x0  }
0x12: {  	s1 =	sld [smem:$0x3F9E];
	s0 =	simm.s32 @p0 $0x1  }
0x13: {  	[smem:$0x3FB9] =	sst s0;
	s0 =	simm.s32 @!p1 $0x0  }
0x14: {  	s2 =	sld [smem:$0x3F9D];
	s0 =	simm.s32 @p1 $0x1  }
0x15: {  	[smem:$0x3FBA] =	sst s0;
	s0 =	simm.s32 @!p2 $0x0  }
0x16: {  	s3 =	sld [smem:$0x3FDB];
	s0 =	simm.s32 @p2 $0x1  }
0x17: {  	s4 =	simm.s32 $0x1BF5;
	[smem:$0x3FBC] =	sst s0  }
0x18: {  	s0 =	sld [smem:$0x3F9F];
	_ =	swait.ge [sflag:s4], $0x0  }
0x19: {  	s7 =	sld [smem:$0x3FA0]  }
0x1a: {  	s8 =	sadd.s32 $0xFFFFE003, lr  }
0x1b: {  	s9 =	sadd.s32 $0xFFFFFEF7, lr;
	s5 =	simm.s32 $0xFFFFFFFF;
	p2 =	slt.u32 s8, $0xFFFFF086  }
0x1c: {  	p1 =	slt.u32 s9, $0xF7A;
	s5 =	simm.s32 @!p2 $0x0  }
0x1d: {  	s5 =	simm.s32 @p1 $0x1;
	p0 =	seq.s32 s7, s2  }
0x1e: {  	s7 =	smul.u32 @!p0 $0xF7A, s2;
	p2 =	seq.s32 @!p0 s5, $0x0  }
0x1f: {  	s9 =	smul.u32 $0xF7A, s1;
	s8 =	simm.s32 @!p0 $0x1BF5;
	p2 =	por !p2, p0  }
0x20: {  	[sflag:s8] =	ssyncset.s32 @!p0 $0xFFFFF086;
	s6 =	sadd.s32 @!p0 s3, s7;
	s7 =	simm.s32 @!p0 $0x108  }
0x21: {  	s3 =	sadd.s32 s3, s9;
	s6 =	sadd.s32 @!p0 $0x88, s6;
	s7 =	simm.s32 @p2 $0x1082  }
0x22: {  	[simem:s7], [sflag:s8] =	dma.local @!p0 [hbm:s6], $0xF7A  }
0x23: {  	s9 =	sor.u32 $0xD0000000, s2;
	s6 =	simm.s32 $0x108;
	_ =	swait.ge @!p0 [sflag:s8], $0x0  }
0x24: {  	s3 =	sadd.s32 $0x88, s3;
	s6 =	simm.s32 @!p1 $0x1082;
	[sflag:s4] =	ssyncset.s32 $0xFFFFF086  }
0x25: {  	[simem:s6], [sflag:s4] =	dma.local [hbm:s3], $0xF7A  }
0x26: {  	[smem:$0x3FA0] =	sst s1;
	(tag) =	ssettag s2;
	_ =	strace s9  }
0x27: {  	s1 =	sld [smem:$0x3FB0]  }
0x28: {  	s2 =	sld [smem:$0x3FB1]  }
0x29: {  	s4 =	sld [smem:$0x3FB3]  }
0x2a: {  	p0 =	seq.s32 s5, $0x0;
	s5 =	sld [smem:$0x3FB4]  }
0x2b: {  	s6 =	sld [smem:$0x3FB5]  }
0x2c: {  	s7 =	sld [smem:$0x3FB6]  }
0x2d: {  	s3 =	simm.s32 $0x108;
	s8 =	sld [smem:$0x3FB7]  }
0x2e: {  	s3 =	simm.s32 @!p0 $0x1082;
	s9 =	sld [smem:$0x3FB8]  }
0x2f: {  	lr =	sadd.s32 s0, s3;
	s0 =	sld [smem:$0x3FAF]  }
0x30: {  	s3 =	sld [smem:$0x3FB2]  }
0x31: {  	[smem:$0x3FBB] =	sst s10  }
0x32: {  	s10 =	sld [smem:$0x3FB9];
	_ =	sdelay $0x3  }
0x33: {  	p0 =	seq.s32 s10, $0x1;
	s10 =	sld [smem:$0x3FBB];
	_ =	sdelay $0x3  }
0x34: {  	[smem:$0x3FBB] =	sst s10  }
0x35: {  	s10 =	sld [smem:$0x3FBA];
	_ =	sdelay $0x3  }
0x36: {  	p1 =	seq.s32 s10, $0x1;
	s10 =	sld [smem:$0x3FBB];
	_ =	sdelay $0x3  }
0x37: {  	[smem:$0x3FBB] =	sst s10  }
0x38: {  	s10 =	sld [smem:$0x3FBC]  }
0x39: {  	_ = 	snop;
	(pc) =	sbr.ind lr, $3  }
0x3a: {  	_ = 	snop  }
0x3b: {  	_ = 	snop  }
0x3c: {  	p2 =	seq.s32 s10, $0x1;
	s10 =	sld [smem:$0x3FBB]  }
0x3d: {  	_ =	shalt  }
0x3e: {  	_ =	shalt  }
0x3f: {  	_ =	shalt  }
0x40: {  	_ =	shalt  }
0x41: {  	_ =	shalt  }
0x42: {  	_ =	shalt  }
0x43: {  	_ =	shalt  }
0x44: {  	_ =	shalt  }
0x45: {  	_ =	shalt  }
0x46: {  	_ =	shalt  }
0x47: {  	_ =	shalt  }
0x48: {  	_ =	shalt  }
0x49: {  	_ =	shalt  }
0x4a: {  	_ =	shalt  }
0x4b: {  	_ =	shalt  }
0x4c: {  	_ =	shalt  }
0x4d: {  	_ =	shalt  }
0x4e: {  	_ =	shalt  }
0x4f: {  	_ =	shalt  }
0x50: {  	_ =	shalt  }
0x51: {  	_ =	shalt  }
0x52: {  	_ =	shalt  }
0x53: {  	_ =	shalt  }
0x54: {  	_ =	shalt  }
0x55: {  	_ =	shalt  }
0x56: {  	_ =	shalt  }
0x57: {  	_ =	shalt  }
0x58: {  	_ =	shalt  }
0x59: {  	_ =	shalt  }
0x5a: {  	_ =	shalt  }
0x5b: {  	_ =	shalt  }
0x5c: {  	_ =	shalt  }
0x5d: {  	_ =	shalt  }
0x5e: {  	_ =	shalt  }
0x5f: {  	_ =	shalt  }
0x60: {  	_ =	shalt  }
0x61: {  	_ =	shalt  }
0x62: {  	_ =	shalt  }
0x63: {  	_ =	shalt  }
0x64: {  	_ =	shalt  }
0x65: {  	_ =	shalt  }
0x66: {  	_ =	shalt  }
0x67: {  	_ =	shalt  }
0x68: {  	_ =	shalt  }
0x69: {  	_ =	shalt  }
0x6a: {  	_ =	shalt  }
0x6b: {  	_ =	shalt  }
0x6c: {  	_ =	shalt  }
0x6d: {  	_ =	shalt  }
0x6e: {  	_ =	shalt  }
0x6f: {  	_ =	shalt  }
0x70: {  	_ =	shalt  }
0x71: {  	_ =	shalt  }
0x72: {  	_ =	shalt  }
0x73: {  	_ =	shalt  }
0x74: {  	_ =	shalt  }
0x75: {  	_ =	shalt  }
0x76: {  	_ =	shalt  }
0x77: {  	_ =	shalt  }
0x78: {  	_ =	shalt  }
0x79: {  	_ =	shalt  }
0x7a: {  	_ =	shalt  }
0x7b: {  	_ =	shalt  }
0x7c: {  	_ =	shalt  }
0x7d: {  	_ =	shalt  }
0x7e: {  	_ =	shalt  }
0x7f: {  	_ =	shalt  }
0x80: {  	_ =	shalt  }
0x81: {  	_ =	shalt  }
0x82: {  	_ =	shalt  }
0x83: {  	_ =	shalt  }
0x84: {  	_ =	shalt  }
0x85: {  	_ =	shalt  }
0x86: {  	_ =	shalt  }
0x87: {  	_ =	shalt  }
.Lfunc_end0:
.L_simem_size_0:
called_computation_lowered:
.L_overlay_start_0:
0x88: {  	s2 =	sld [smem:$0x3FD9]  }
0x89: {  	s3 =	sld [smem:$0x3FFE];
	_ =	sdelay $0x1  }
0x8a: {  	s1 =	srdreg.scid  }
0x8b: {  	s0 =	sand.u32 $0x1, s1  }
0x8c: {  	s18 =	sshll.u32 s0, $0xA;
	s2 =	sadd.s32 s3, s2  }
0x8d: {  	s2 =	sadd.s32 s2, s18  }
0x8e: {  	[smem:$0x3FC7] =	sst s2  }
0x8f: {  	_ = 	snop  }
0x90: {  	s2 =	sld [smem:$0x3FC9]  }
0x91: {  	s19 =	sld [smem:$0x3FD0];
	(tm) =	ssettm $0x1  }
0x92: {  	s4 =	sld [smem:$0x3FFB];
	_ =	sdelay $0x3  }
0x93: {  	_ =	strace s4  }
0x94: {  	s4 =	sld [smem:$0x3FFC];
	_ =	sdelay $0x3  }
0x95: {  	_ =	strace s4  }
0x96: {  	s4 =	sld [smem:$0x3FFD];
	_ =	sdelay $0x3  }
0x97: {  	_ =	strace s4  }
0x98: {  	_ =	strace $0x8FFFFFFF  }
0x99: {  	s20 =	sld [smem:$0x3FDB];
	_ =	sdelay $0x1  }
0x9a: {  	s5 =	simm.s32 $_scs_section_size  }
0x9b: {  	s6 =	simm.s32 $_size__tile_overlayer_lowered;
	s7 =	simm.s32 $_tile_overlayer_lowered  }
0x9c: {  	s23 =	simm.s32 $0x1BFF;
	s22 =	sshll.u32 s7, $0x1;
	s4 =	sadd.s32 s5, s20  }
0x9d: {  	s8 =	simm.s32 $0x0;
	s21 =	sshll.u32 s6, $0x1;
	s6 =	sadd.s32 s22, s4  }
0x9e: {  	[timem:s8], [sflag:s23] =	dma.local [hbm:s6], s21  }
0x9f: {  	_ =	swait.ge [sflag:s23], s21  }
0xa0: {  	s5 =	ssub.s32 $0x0, s21;
	[sflag:s23] =	ssyncset.done $0x0  }
0xa1: {  	[sflag:s23] =	ssyncadd.s32 s5;
	_ =	sdelay $0x1  }
0xa2: {  	s24 =	simm.s32 $0x1B8B  }
0xa3: {  	_ =	swait.ge [sflag:s24], $0x1  }
0xa4: {  	[sflag:s24] =	ssyncset.done $0x0  }
0xa5: {  	s25 =	simm.s32 $0x1B8E;
	[sflag:s24] =	ssyncadd.s32 $0xFFFFFFFF  }
0xa6: {  	s26 =	simm.s32 $execute0_lowered;
	[smem:$0x3FD2] =	sst s25  }
0xa7: {  	s5 =	sshll.u32 s26, $0x1;
	_ =	strace $0x80000046;
	[dreg:$0x1] =	wrdreg $0xFFFFFFFF  }
0xa8: {  	s28 =	simm.s32 $_size_execute0_lowered;
	s4 =	sadd.s32 s4, s5;
	[dreg:$0x0] =	wrdreg $0x0  }
0xa9: {  	s5 =	sshll.u32 s28, $0x1;
	[dreg:$0x2] =	wrdreg s4  }
0xaa: {  	[dreg:$0x3] =	wrdreg s5  }
0xab: {  	[dreg:$0x4] =	wrdreg $0xC0  }
0xac: {  	_ =	task [dreg:s8], $0x5FFFF  }
0xad: {  	[dreg:$0x1] =	wrdreg $0xFFFFFFFF  }
0xae: {  	[dreg:$0x0] =	wrdreg $0x60  }
0xaf: {  	[dreg:$0x2] =	wrdreg s2  }
0xb0: {  	[dreg:$0x3] =	wrdreg s19  }
0xb1: {  	[dreg:$0x4] =	wrdreg $0x9  }
0xb2: {  	_ =	task.clear_ibuf [dreg:s8], $0x5FFFF;
	_ =	strace $0x90000046  }
0xb3: {  	s29 =	simm.s32 $0x9;
	_ =	strace $0x80000048  }
0xb4: {  	_ =	swait.ge [sflag:s29], $0x1  }
0xb5: {  	[sflag:s29] =	ssyncadd.s32 $0xFFFFFFFF  }
0xb6: {  	_ =	strace $0x90000048  }
0xb7: {  	_ =	sfence  }
0xb8: {  	s30 =	sld [smem:$0x0];
	_ =	sdelay $0x2  }
0xb9: {  	s31 =	sshll.u32 s1, $0xD;
	s1 =	sshrl.u32 s1, $0x2  }
0xba: {  	s3 =	sand.u32 $0x4000, s31;
	s1 =	sadd.s32 s1, s30  }
0xbb: {  	s0 =	sor.u32 s3, s0;
	s1 =	sshll.u32 s1, $0x11  }
0xbc: {  	s0 =	sor.u32 s1, s0  }
0xbd: {  	s0 =	sadd.s32 $0x8F2B, s0  }
0xbe: {  	[sflag:s0] =	ssyncadd.remote.s32 $0x1  }
0xbf: {  	_ =	sfence.sel $0xFFFF  }
0xc0: {  	[dreg:$0x0] =	wrdreg $0xFFFFFFFF;
	(pc) =	sbr.abs _section_cstart, $3  }
0xc1: {  	[dreg:$0x1] =	wrdreg $0xFFFFFFFF  }
0xc2: {  	_ =	task.clear_ibuf [dreg:s8], $0x2FFFF;
	_ =	strace $0x9FFFFFFF  }
0xc3: {  	(tm) =	ssettm $0x7FFFFFFF  }
tec
execute0_lowered:
.L_overlay_start_1:
0x0: {  	(tag) =	ssettag $0x1  }
0x1: {  	s5 =	rddreg [dreg:$0x0]  }
0x2: {  	s2 =	rddreg [dreg:$0x1];
	s3 =	srdreg.scid  }
0x3: {  	s0 =	rddreg [dreg:$0x2];
	s1 =	stileid.u32  }
0x4: {  	s10 =	simm.s32 $0x400;
	s11 =	simm.s32 $0x8000;
	s12 =	simm.s32 $0x800  }
0x5: {  	s13 =	simm.s32 $0x1;
	s14 =	simm.s32 $0xC00;
	s15 =	simm.s32 $0x7000  }
0x6: {  	v0 =	vimm.f32 $0.0e+00;
	v1 =	vlaneseq.u32;
	v2 =	vimm.f32 $1.000000000e+00;
	s16 =	simm.s32 $0x2;
	s17 =	simm.s32 $0x0;
	s6 =	sand.u32 $0x1, s3  }
0x7: {  	s3 =	simm.s32 $0x0;
	s4 =	sshll.u32 s1, $0xB;
	v3 =	vor.u32 $0x10, v1;
	v4 =	vor.u32 $0x20, v1;
	v5 =	vor.u32 $0x30, v1;
	s7 =	sshll.u32 s6, $0xA  }
0x8: {  	v6 =	vor.u32 $0x40, v1;
	v7 =	vor.u32 $0x50, v1;
	v8 =	vor.u32 $0x60, v1;
	[smem:$0x7FF] =	sst s3;
	s30 =	ssub.s32 $0x2, s6;
	s4 =	sor.u32 s7, s4  }
0x9: {  	v9 =	vor.u32 $0x70, v1;
	v10 =	vor.u32 $0xFFFF9C00, v1;
	v11 =	vor.u32 $0xFFFF9C10, v1;
	_ =	strace $0x80000047;
	s8 =	sshrl.u32 s30, $0x1;
	s31 =	sshrl.u32 s4, $0x3  }
0xa: {  	v12 =	vor.u32 $0xFFFF9C20, v1;
	v13 =	vor.u32 $0xFFFF9C30, v1;
	v14 =	vor.u32 $0xFFFF9C40, v1;
	s9 =	ssub.s32 s30, s8;
	s5 =	sadd.s32 s5, s31;
	s6 =	sadd.s32 s2, s31  }
0xb: {  	v15 =	vor.u32 $0xFFFF9C50, v1;
	v16 =	vor.u32 $0xFFFF9C60, v1;
	v17 =	vor.u32 $0xFFFF9C70, v1;
	s9 =	smax.u32 s9, $0x1;
	s7 =	sadd.s32 $0x2000, s5;
	s8 =	sadd.s32 $0x19000, s6  }
.LBB2_1:
0xc: {  	[tilespmem:s3], [sflag:$0x1] =	stream.strided.gather [hbm4b:s5+s10], $0x800, s11, s10, $0x38;
	[tilespmem:$0xD400] =	vst v63  }
0xd: {  	s18 =	simm.s32 $0x0;
	s19 =	simm.s32 $0x200  }
0xe: {  	[tilespmem:s12], [sflag:$0x1] =	stream.linear.gather [hbm4b:s7+s3], $0x200, $0x38;
	[tilespmem:$0xD400] =	vst v63  }
.LBB2_2:
0xf: {  	p0 =	sne.s32 s19, $0x18E00;
	[tilespmem:s18+$0xC70] =	vst v0  }
0x10: {  	[tilespmem:s18+$0xC00] =	vst v0  }
0x11: {  	[tilespmem:s18+$0xC10] =	vst v0  }
.Ltmp0:
0x12: {  	[tilespmem:s18+$0xC20] =	vst v0;
	(pc) =	sbr.rel @p0 .LBB2_2-.Ltmp0, $4  }
0x13: {  	[tilespmem:s18+$0xC30] =	vst v0  }
0x14: {  	[tilespmem:s18+$0xC40] =	vst v0  }
0x15: {  	[tilespmem:s18+$0xC50] =	vst v0  }
0x16: {  	[tilespmem:s18+$0xC60] =	vst v0;
	s18 =	sshra.s32 s19, $0x2;
	s19 =	sadd.s32 $0x200, s19  }
0x17: {  	[tilespmem:s18+$0xC70] =	vst v0  }
0x18: {  	[tilespmem:s18+$0xC00] =	vst v0  }
0x19: {  	[tilespmem:s18+$0xC10] =	vst v0  }
0x1a: {  	[tilespmem:s18+$0xC20] =	vst v0  }
0x1b: {  	[tilespmem:s18+$0xC30] =	vst v0  }
0x1c: {  	[tilespmem:s18+$0xC40] =	vst v0  }
0x1d: {  	[tilespmem:s18+$0xC50] =	vst v0  }
0x1e: {  	[tilespmem:s18+$0xC60] =	vst v0  }
0x1f: {  	_ =	swait.ge [sflag:s13], $0xA00  }
0x20: {  	[sflag:s13] =	ssyncset.done $0x0  }
0x21: {  	[sflag:s13] =	ssyncadd.s32 $0xFFFFF600  }
0x22: {  	v18 =	vld [tilespmem:$0x0];
	_ =	sdelay $0x4  }
0x23: {  	v19 =	vshll.u32 v18, $0x7  }
0x24: {  	vm0 =	vlt.u32 v18, $0xC8;
	v18 =	vor.u32 v1, v19  }
0x25: {  	v18 =	vsel vm0, v18, v1;
	_ =	sdelay $0x4  }
0x26: {  	[tilespmem:v18+s14+$0x0] =	vst.idx.msk vm0, v2  }
0x27: {  	v18 =	vld [tilespmem:$0x10];
	_ =	sdelay $0x4  }
0x28: {  	v19 =	vshll.u32 v18, $0x7  }
0x29: {  	vm9 =	vlt.u32 v18, $0xC8;
	v18 =	vor.u32 v3, v19  }
0x2a: {  	v18 =	vsel vm9, v18, v3;
	_ =	sdelay $0x4  }
0x2b: {  	[tilespmem:v18+s14+$0x0] =	vst.idx.msk vm9, v2  }
0x2c: {  	v18 =	vld [tilespmem:$0x20];
	_ =	sdelay $0x4  }
0x2d: {  	v19 =	vshll.u32 v18, $0x7  }
0x2e: {  	vm10 =	vlt.u32 v18, $0xC8;
	v18 =	vor.u32 v4, v19  }
0x2f: {  	v18 =	vsel vm10, v18, v4;
	_ =	sdelay $0x4  }
0x30: {  	[tilespmem:v18+s14+$0x0] =	vst.idx.msk vm10, v2  }
0x31: {  	v18 =	vld [tilespmem:$0x30];
	_ =	sdelay $0x4  }
0x32: {  	v19 =	vshll.u32 v18, $0x7  }
0x33: {  	vm11 =	vlt.u32 v18, $0xC8;
	v18 =	vor.u32 v5, v19  }
0x34: {  	v18 =	vsel vm11, v18, v5;
	_ =	sdelay $0x4  }
0x35: {  	[tilespmem:v18+s14+$0x0] =	vst.idx.msk vm11, v2  }
0x36: {  	v18 =	vld [tilespmem:$0x40];
	_ =	sdelay $0x4  }
0x37: {  	v19 =	vshll.u32 v18, $0x7  }
0x38: {  	vm12 =	vlt.u32 v18, $0xC8;
	v18 =	vor.u32 v6, v19  }
0x39: {  	v18 =	vsel vm12, v18, v6;
	_ =	sdelay $0x4  }
0x3a: {  	[tilespmem:v18+s14+$0x0] =	vst.idx.msk vm12, v2  }
0x3b: {  	v18 =	vld [tilespmem:$0x50];
	_ =	sdelay $0x4  }
0x3c: {  	v19 =	vshll.u32 v18, $0x7  }
0x3d: {  	vm13 =	vlt.u32 v18, $0xC8;
	v18 =	vor.u32 v7, v19  }
0x3e: {  	v18 =	vsel vm13, v18, v7;
	_ =	sdelay $0x4  }
0x3f: {  	[tilespmem:v18+s14+$0x0] =	vst.idx.msk vm13, v2  }
0x40: {  	v18 =	vld [tilespmem:$0x60];
	_ =	sdelay $0x4  }
0x41: {  	v19 =	vshll.u32 v18, $0x7  }
0x42: {  	vm14 =	vlt.u32 v18, $0xC8;
	v18 =	vor.u32 v8, v19  }
0x43: {  	v18 =	vsel vm14, v18, v8;
	_ =	sdelay $0x4  }
0x44: {  	[tilespmem:v18+s14+$0x0] =	vst.idx.msk vm14, v2  }
0x45: {  	v18 =	vld [tilespmem:$0x70];
	_ =	sdelay $0x4  }
0x46: {  	v19 =	vshll.u32 v18, $0x7  }
0x47: {  	vm15 =	vlt.u32 v18, $0xC8;
	v18 =	vor.u32 v9, v19  }
0x48: {  	v18 =	vsel vm15, v18, v9;
	_ =	sdelay $0x4  }
0x49: {  	s18 =	simm.s32 $0x0;
	s19 =	simm.s32 $0x200;
	[tilespmem:v18+s14+$0x0] =	vst.idx.msk vm15, v2  }
0x4a: {  	[hbm4b:s6+s10] =	stream.strided.scatter [tilespmem:s14], [sflag:$0x1], $0x6400, s11, s10, $0x38;
	[tilespmem:$0xD400] =	vst v63  }
.LBB2_4:
0x4b: {  	p0 =	sne.s32 s19, $0x18E00;
	[tilespmem:s18+$0x7070] =	vst v0  }
0x4c: {  	[tilespmem:s18+$0x7000] =	vst v0  }
0x4d: {  	[tilespmem:s18+$0x7010] =	vst v0  }
.Ltmp1:
0x4e: {  	[tilespmem:s18+$0x7020] =	vst v0;
	(pc) =	sbr.rel @p0 .LBB2_4-.Ltmp1, $4  }
0x4f: {  	[tilespmem:s18+$0x7030] =	vst v0  }
0x50: {  	[tilespmem:s18+$0x7040] =	vst v0  }
0x51: {  	[tilespmem:s18+$0x7050] =	vst v0  }
0x52: {  	[tilespmem:s18+$0x7060] =	vst v0;
	s18 =	sshra.s32 s19, $0x2;
	s19 =	sadd.s32 $0x200, s19  }
0x53: {  	[tilespmem:s18+$0x7070] =	vst v0  }
0x54: {  	[tilespmem:s18+$0x7000] =	vst v0  }
0x55: {  	[tilespmem:s18+$0x7010] =	vst v0  }
0x56: {  	[tilespmem:s18+$0x7020] =	vst v0  }
0x57: {  	[tilespmem:s18+$0x7030] =	vst v0  }
0x58: {  	[tilespmem:s18+$0x7040] =	vst v0  }
0x59: {  	[tilespmem:s18+$0x7050] =	vst v0  }
0x5a: {  	[tilespmem:s18+$0x7060] =	vst v0  }
0x5b: {  	v18 =	vld [tilespmem:$0x0];
	_ =	sdelay $0x4  }
0x5c: {  	v19 =	vadd.s32 $0xFFFFFF38, v18;
	v18 =	vshll.u32 v18, $0x7  }
0x5d: {  	vm0 =	vlt.u32 v19, $0xC8;
	v18 =	vadd.s32 v10, v18  }
0x5e: {  	v18 =	vsel vm0, v18, v1;
	_ =	sdelay $0x4  }
0x5f: {  	[tilespmem:v18+s15+$0x0] =	vst.idx.msk vm0, v2  }
0x60: {  	v18 =	vld [tilespmem:$0x10];
	_ =	sdelay $0x4  }
0x61: {  	v19 =	vadd.s32 $0xFFFFFF38, v18;
	v18 =	vshll.u32 v18, $0x7  }
0x62: {  	vm9 =	vlt.u32 v19, $0xC8;
	v18 =	vadd.s32 v11, v18  }
0x63: {  	v18 =	vsel vm9, v18, v3;
	_ =	sdelay $0x4  }
0x64: {  	[tilespmem:v18+s15+$0x0] =	vst.idx.msk vm9, v2  }
0x65: {  	v18 =	vld [tilespmem:$0x20];
	_ =	sdelay $0x4  }
0x66: {  	v19 =	vadd.s32 $0xFFFFFF38, v18;
	v18 =	vshll.u32 v18, $0x7  }
0x67: {  	vm10 =	vlt.u32 v19, $0xC8;
	v18 =	vadd.s32 v12, v18  }
0x68: {  	v18 =	vsel vm10, v18, v4;
	_ =	sdelay $0x4  }
0x69: {  	[tilespmem:v18+s15+$0x0] =	vst.idx.msk vm10, v2  }
0x6a: {  	v18 =	vld [tilespmem:$0x30];
	_ =	sdelay $0x4  }
0x6b: {  	v19 =	vadd.s32 $0xFFFFFF38, v18;
	v18 =	vshll.u32 v18, $0x7  }
0x6c: {  	vm11 =	vlt.u32 v19, $0xC8;
	v18 =	vadd.s32 v13, v18  }
0x6d: {  	v18 =	vsel vm11, v18, v5;
	_ =	sdelay $0x4  }
0x6e: {  	[tilespmem:v18+s15+$0x0] =	vst.idx.msk vm11, v2  }
0x6f: {  	v18 =	vld [tilespmem:$0x40];
	_ =	sdelay $0x4  }
0x70: {  	v19 =	vadd.s32 $0xFFFFFF38, v18;
	v18 =	vshll.u32 v18, $0x7  }
0x71: {  	vm12 =	vlt.u32 v19, $0xC8;
	v18 =	vadd.s32 v14, v18  }
0x72: {  	v18 =	vsel vm12, v18, v6;
	_ =	sdelay $0x4  }
0x73: {  	[tilespmem:v18+s15+$0x0] =	vst.idx.msk vm12, v2  }
0x74: {  	v18 =	vld [tilespmem:$0x50];
	_ =	sdelay $0x4  }
0x75: {  	v19 =	vadd.s32 $0xFFFFFF38, v18;
	v18 =	vshll.u32 v18, $0x7  }
0x76: {  	vm13 =	vlt.u32 v19, $0xC8;
	v18 =	vadd.s32 v15, v18  }
0x77: {  	v18 =	vsel vm13, v18, v7;
	_ =	sdelay $0x4  }
0x78: {  	[tilespmem:v18+s15+$0x0] =	vst.idx.msk vm13, v2  }
0x79: {  	v18 =	vld [tilespmem:$0x60];
	_ =	sdelay $0x4  }
0x7a: {  	v19 =	vadd.s32 $0xFFFFFF38, v18;
	v18 =	vshll.u32 v18, $0x7  }
0x7b: {  	vm14 =	vlt.u32 v19, $0xC8;
	v18 =	vadd.s32 v16, v18  }
0x7c: {  	v18 =	vsel vm14, v18, v8;
	_ =	sdelay $0x4  }
0x7d: {  	[tilespmem:v18+s15+$0x0] =	vst.idx.msk vm14, v2  }
0x7e: {  	v18 =	vld [tilespmem:$0x70];
	_ =	sdelay $0x4  }
0x7f: {  	v19 =	vadd.s32 $0xFFFFFF38, v18;
	v18 =	vshll.u32 v18, $0x7  }
0x80: {  	vm15 =	vlt.u32 v19, $0xC8;
	v18 =	vadd.s32 v17, v18  }
0x81: {  	v18 =	vsel vm15, v18, v9;
	_ =	sdelay $0x4  }
0x82: {  	s18 =	simm.s32 $0x1;
	[tilespmem:v18+s15+$0x0] =	vst.idx.msk vm15, v2  }
0x83: {  	[hbm4b:s8+s10] =	stream.strided.scatter [tilespmem:s15], [sflag:$0x2], $0x6400, s11, s10, $0x38;
	[tilespmem:$0xD400] =	vst v63  }
.LBB2_6:
0x84: {  	s19 =	sshll.u32 s18, $0x1  }
0x85: {  	s20 =	sadd.s32 $0xFFFFFFFE, s19  }
0x86: {  	s21 =	sshll.u32 s20, $0x18  }
0x87: {  	s21 =	sshra.s32 s21, $0x18  }
0x88: {  	s21 =	smul.u32 $0x67, s21;
	_ =	sdelay $0x1  }
0x89: {  	s22 =	sshrl.u32 s21, $0x1F;
	s21 =	sshra.s32 s21, $0x9  }
0x8a: {  	s21 =	sadd.s32 s22, s21  }
0x8b: {  	s22 =	smul.u32 $0xFFFFFFFB, s21;
	_ =	sdelay $0x1  }
0x8c: {  	s20 =	sadd.s32 s20, s22  }
0x8d: {  	s22 =	sand.u32 $0xFF, s20  }
0x8e: {  	p0 =	slt.u32 s18, $0x2;
	p1 =	sne.s32 s22, $0x0  }
0x8f: {  	p0 =	por !p0, !p1  }
0x90: {  	s22 =	simm.s32 $0x1;
	p0 =	por !p0, !p0  }
0x91: {  	s22 =	simm.s32 @!p0 $0x0  }
0x92: {  	_ =	swait.ge [sflag:s13], $0x6400;
	s21 =	ssub.s32 s21, s22  }
0x93: {  	[sflag:s13] =	ssyncset.done $0x0;
	s20 =	sshll.u32 s20, $0x18;
	s21 =	sshll.u32 s21, $0x9  }
0x94: {  	[sflag:s13] =	ssyncadd.s32 $0xFFFF9C00;
	s20 =	sshra.s32 s20, $0x18;
	s21 =	sshra.s32 s21, $0x2  }
0x95: {  	p0 =	slt.s32 s20, $0x0;
	s22 =	sadd.s32 $0x5, s20;
	v18 =	vld [tilespmem:s21+$0x0]  }
0x96: {  	s20 =	smov.u32 @p0 s22  }
0x97: {  	s20 =	smul.u32 $0xC8, s20;
	_ =	sdelay $0x1  }
0x98: {  	v19 =	vmov s20  }
0x99: {  	v18 =	vsub.s32 v18, v19  }
0x9a: {  	v20 =	vshll.u32 v18, $0x7  }
0x9b: {  	vm0 =	vlt.u32 v18, $0xC8;
	v18 =	vor.u32 v1, v20  }
0x9c: {  	v18 =	vsel vm0, v18, v1;
	_ =	sdelay $0x4  }
0x9d: {  	[tilespmem:v18+s14+$0x0] =	vst.idx.msk vm0, v0  }
0x9e: {  	v18 =	vld [tilespmem:s21+$0x10];
	_ =	sdelay $0x4  }
0x9f: {  	v18 =	vsub.s32 v18, v19  }
0xa0: {  	v37 =	vshll.u32 v18, $0x7  }
0xa1: {  	vm9 =	vlt.u32 v18, $0xC8;
	v18 =	vor.u32 v3, v37  }
0xa2: {  	v18 =	vsel vm9, v18, v3;
	_ =	sdelay $0x4  }
0xa3: {  	[tilespmem:v18+s14+$0x0] =	vst.idx.msk vm9, v0  }
0xa4: {  	v18 =	vld [tilespmem:s21+$0x20];
	_ =	sdelay $0x4  }
0xa5: {  	v18 =	vsub.s32 v18, v19  }
0xa6: {  	v38 =	vshll.u32 v18, $0x7  }
0xa7: {  	vm10 =	vlt.u32 v18, $0xC8;
	v18 =	vor.u32 v4, v38  }
0xa8: {  	v18 =	vsel vm10, v18, v4;
	_ =	sdelay $0x4  }
0xa9: {  	[tilespmem:v18+s14+$0x0] =	vst.idx.msk vm10, v0  }
0xaa: {  	v18 =	vld [tilespmem:s21+$0x30];
	_ =	sdelay $0x4  }
0xab: {  	v18 =	vsub.s32 v18, v19  }
0xac: {  	v39 =	vshll.u32 v18, $0x7  }
0xad: {  	vm11 =	vlt.u32 v18, $0xC8;
	v18 =	vor.u32 v5, v39  }
0xae: {  	v18 =	vsel vm11, v18, v5;
	_ =	sdelay $0x4  }
0xaf: {  	[tilespmem:v18+s14+$0x0] =	vst.idx.msk vm11, v0  }
0xb0: {  	v18 =	vld [tilespmem:s21+$0x40];
	_ =	sdelay $0x4  }
0xb1: {  	v18 =	vsub.s32 v18, v19  }
0xb2: {  	v40 =	vshll.u32 v18, $0x7  }
0xb3: {  	vm12 =	vlt.u32 v18, $0xC8;
	v18 =	vor.u32 v6, v40  }
0xb4: {  	v18 =	vsel vm12, v18, v6;
	_ =	sdelay $0x4  }
0xb5: {  	[tilespmem:v18+s14+$0x0] =	vst.idx.msk vm12, v0  }
0xb6: {  	v18 =	vld [tilespmem:s21+$0x50];
	_ =	sdelay $0x4  }
0xb7: {  	v18 =	vsub.s32 v18, v19  }
0xb8: {  	v41 =	vshll.u32 v18, $0x7  }
0xb9: {  	vm13 =	vlt.u32 v18, $0xC8;
	v18 =	vor.u32 v7, v41  }
0xba: {  	v18 =	vsel vm13, v18, v7;
	_ =	sdelay $0x4  }
0xbb: {  	[tilespmem:v18+s14+$0x0] =	vst.idx.msk vm13, v0  }
0xbc: {  	v18 =	vld [tilespmem:s21+$0x60];
	_ =	sdelay $0x4  }
0xbd: {  	v18 =	vsub.s32 v18, v19  }
0xbe: {  	v42 =	vshll.u32 v18, $0x7  }
0xbf: {  	vm14 =	vlt.u32 v18, $0xC8;
	v18 =	vor.u32 v8, v42  }
0xc0: {  	v18 =	vsel vm14, v18, v8;
	_ =	sdelay $0x4  }
0xc1: {  	[tilespmem:v18+s14+$0x0] =	vst.idx.msk vm14, v0  }
0xc2: {  	v18 =	vld [tilespmem:s21+$0x70];
	_ =	sdelay $0x4  }
0xc3: {  	v18 =	vsub.s32 v18, v19  }
0xc4: {  	v19 =	vshll.u32 v18, $0x7  }
0xc5: {  	vm15 =	vlt.u32 v18, $0xC8;
	v18 =	vor.u32 v9, v19  }
0xc6: {  	s29 =	sand.u32 $0xFE, s19;
	v18 =	vsel vm15, v18, v9  }
0xc7: {  	s20 =	smul.u32 $0xCD, s29;
	_ =	sdelay $0x1  }
0xc8: {  	s20 =	sshrl.u32 s20, $0xA  }
0xc9: {  	s30 =	smul.u32 $0x5, s20  }
0xca: {  	s31 =	sshll.u32 s20, $0x7;
	[tilespmem:v18+s14+$0x0] =	vst.idx.msk vm15, v0  }
0xcb: {  	s21 =	ssub.s32 s19, s30;
	v18 =	vld [tilespmem:s31+$0x0]  }
0xcc: {  	s21 =	sand.u32 $0xFF, s21  }
0xcd: {  	s23 =	smul.u32 $0xC8, s21;
	_ =	sdelay $0x1  }
0xce: {  	v19 =	vmov s23  }
0xcf: {  	v18 =	vsub.s32 v18, v19  }
0xd0: {  	v43 =	vshll.u32 v18, $0x7  }
0xd1: {  	vm4 =	vlt.u32 v18, $0xC8;
	v18 =	vor.u32 v1, v43  }
0xd2: {  	v18 =	vsel vm4, v18, v1;
	_ =	sdelay $0x4  }
0xd3: {  	[tilespmem:v18+s14+$0x0] =	vst.idx.msk vm4, v2  }
0xd4: {  	v18 =	vld [tilespmem:s31+$0x10];
	_ =	sdelay $0x4  }
0xd5: {  	v18 =	vsub.s32 v18, v19  }
0xd6: {  	v44 =	vshll.u32 v18, $0x7  }
0xd7: {  	vm5 =	vlt.u32 v18, $0xC8;
	v18 =	vor.u32 v3, v44  }
0xd8: {  	v18 =	vsel vm5, v18, v3;
	_ =	sdelay $0x4  }
0xd9: {  	[tilespmem:v18+s14+$0x0] =	vst.idx.msk vm5, v2  }
0xda: {  	v18 =	vld [tilespmem:s31+$0x20];
	_ =	sdelay $0x4  }
0xdb: {  	v18 =	vsub.s32 v18, v19  }
0xdc: {  	v45 =	vshll.u32 v18, $0x7  }
0xdd: {  	vm6 =	vlt.u32 v18, $0xC8;
	v18 =	vor.u32 v4, v45  }
0xde: {  	v18 =	vsel vm6, v18, v4;
	_ =	sdelay $0x4  }
0xdf: {  	[tilespmem:v18+s14+$0x0] =	vst.idx.msk vm6, v2  }
0xe0: {  	v18 =	vld [tilespmem:s31+$0x30];
	_ =	sdelay $0x4  }
0xe1: {  	v18 =	vsub.s32 v18, v19  }
0xe2: {  	v46 =	vshll.u32 v18, $0x7  }
0xe3: {  	vm7 =	vlt.u32 v18, $0xC8;
	v18 =	vor.u32 v5, v46  }
0xe4: {  	v18 =	vsel vm7, v18, v5;
	_ =	sdelay $0x4  }
0xe5: {  	[tilespmem:v18+s14+$0x0] =	vst.idx.msk vm7, v2  }
0xe6: {  	v18 =	vld [tilespmem:s31+$0x40];
	_ =	sdelay $0x4  }
0xe7: {  	v18 =	vsub.s32 v18, v19  }
0xe8: {  	v47 =	vshll.u32 v18, $0x7  }
0xe9: {  	vm8 =	vlt.u32 v18, $0xC8;
	v18 =	vor.u32 v6, v47  }
0xea: {  	v18 =	vsel vm8, v18, v6;
	_ =	sdelay $0x4  }
0xeb: {  	[tilespmem:v18+s14+$0x0] =	vst.idx.msk vm8, v2  }
0xec: {  	v18 =	vld [tilespmem:s31+$0x50];
	_ =	sdelay $0x4  }
0xed: {  	v18 =	vsub.s32 v18, v19  }
0xee: {  	v48 =	vshll.u32 v18, $0x7  }
0xef: {  	vm9 =	vlt.u32 v18, $0xC8;
	v18 =	vor.u32 v7, v48  }
0xf0: {  	v18 =	vsel vm9, v18, v7;
	_ =	sdelay $0x4  }
0xf1: {  	[tilespmem:v18+s14+$0x0] =	vst.idx.msk vm9, v2  }
0xf2: {  	v18 =	vld [tilespmem:s31+$0x60];
	_ =	sdelay $0x4  }
0xf3: {  	v18 =	vsub.s32 v18, v19  }
0xf4: {  	v49 =	vshll.u32 v18, $0x7  }
0xf5: {  	vm10 =	vlt.u32 v18, $0xC8;
	v18 =	vor.u32 v8, v49  }
0xf6: {  	v18 =	vsel vm10, v18, v8;
	_ =	sdelay $0x4  }
0xf7: {  	[tilespmem:v18+s14+$0x0] =	vst.idx.msk vm10, v2  }
0xf8: {  	v18 =	vld [tilespmem:s31+$0x70];
	_ =	sdelay $0x4  }
0xf9: {  	v18 =	vsub.s32 v18, v19  }
0xfa: {  	s19 =	sadd.s32 $0xFFFFFFFF, s19;
	v19 =	vshll.u32 v18, $0x7  }
0xfb: {  	s20 =	smul.u32 $0x3E8000, s20;
	s23 =	sshll.u32 s19, $0x18;
	vm11 =	vlt.u32 v18, $0xC8;
	v18 =	vor.u32 v9, v19  }
0xfc: {  	s21 =	smul.u32 $0xC8000, s21;
	s22 =	sshra.s32 s23, $0x18;
	v18 =	vsel vm11, v18, v9  }
0xfd: {  	s22 =	smul.u32 $0x67, s22  }
0xfe: {  	s20 =	sadd.s32 s21, s20  }
0xff: {  	s20 =	sor.u32 s4, s20;
	s24 =	sshrl.u32 s22, $0x1F;
	s22 =	sshra.s32 s22, $0x9  }
0x100: {  	s20 =	sshrl.u32 s20, $0x3;
	s21 =	sadd.s32 s24, s22  }
0x101: {  	s20 =	sadd.s32 s2, s20;
	s22 =	smul.u32 $0xFFFFFFFB, s21;
	[tilespmem:v18+s14+$0x0] =	vst.idx.msk vm11, v2  }
0x102: {  	[hbm4b:s20+s10] =	stream.strided.scatter [tilespmem:s14], [sflag:$0x1], $0x6400, s11, s10, $0x38;
	[tilespmem:$0xD400] =	vst v63  }
0x103: {  	s19 =	sadd.s32 s19, s22;
	_ =	swait.ge [sflag:s16], $0x6400  }
0x104: {  	s25 =	sshll.u32 s21, $0x9;
	s19 =	sshll.u32 s19, $0x18;
	[sflag:s16] =	ssyncset.done $0x0  }
0x105: {  	s19 =	sshra.s32 s19, $0x18;
	s20 =	sshra.s32 s25, $0x2;
	[sflag:s16] =	ssyncadd.s32 $0xFFFF9C00  }
0x106: {  	p0 =	slt.s32 s19, $0x0;
	s21 =	sadd.s32 $0x5, s19;
	v18 =	vld [tilespmem:s20+$0x0]  }
0x107: {  	s19 =	smov.u32 @p0 s21  }
0x108: {  	s19 =	smul.u32 $0xC8, s19;
	_ =	sdelay $0x1  }
0x109: {  	v19 =	vmov s19  }
0x10a: {  	v18 =	vsub.s32 v18, v19  }
0x10b: {  	v50 =	vshll.u32 v18, $0x7  }
0x10c: {  	vm12 =	vlt.u32 v18, $0xC8;
	v18 =	vor.u32 v1, v50  }
0x10d: {  	v18 =	vsel vm12, v18, v1;
	_ =	sdelay $0x4  }
0x10e: {  	[tilespmem:v18+s15+$0x0] =	vst.idx.msk vm12, v0  }
0x10f: {  	v18 =	vld [tilespmem:s20+$0x10];
	_ =	sdelay $0x4  }
0x110: {  	v18 =	vsub.s32 v18, v19  }
0x111: {  	v51 =	vshll.u32 v18, $0x7  }
0x112: {  	vm13 =	vlt.u32 v18, $0xC8;
	v18 =	vor.u32 v3, v51  }
0x113: {  	v18 =	vsel vm13, v18, v3;
	_ =	sdelay $0x4  }
0x114: {  	[tilespmem:v18+s15+$0x0] =	vst.idx.msk vm13, v0  }
0x115: {  	v18 =	vld [tilespmem:s20+$0x20];
	_ =	sdelay $0x4  }
0x116: {  	v18 =	vsub.s32 v18, v19  }
0x117: {  	v52 =	vshll.u32 v18, $0x7  }
0x118: {  	vm14 =	vlt.u32 v18, $0xC8;
	v18 =	vor.u32 v4, v52  }
0x119: {  	v18 =	vsel vm14, v18, v4;
	_ =	sdelay $0x4  }
0x11a: {  	[tilespmem:v18+s15+$0x0] =	vst.idx.msk vm14, v0  }
0x11b: {  	v18 =	vld [tilespmem:s20+$0x30];
	_ =	sdelay $0x4  }
0x11c: {  	v18 =	vsub.s32 v18, v19  }
0x11d: {  	v53 =	vshll.u32 v18, $0x7  }
0x11e: {  	vm15 =	vlt.u32 v18, $0xC8;
	v18 =	vor.u32 v5, v53  }
0x11f: {  	v18 =	vsel vm15, v18, v5;
	_ =	sdelay $0x4  }
0x120: {  	[tilespmem:v18+s15+$0x0] =	vst.idx.msk vm15, v0  }
0x121: {  	v18 =	vld [tilespmem:s20+$0x40];
	_ =	sdelay $0x4  }
0x122: {  	v18 =	vsub.s32 v18, v19  }
0x123: {  	v54 =	vshll.u32 v18, $0x7  }
0x124: {  	vm4 =	vlt.u32 v18, $0xC8;
	v18 =	vor.u32 v6, v54  }
0x125: {  	v18 =	vsel vm4, v18, v6;
	_ =	sdelay $0x4  }
0x126: {  	[tilespmem:v18+s15+$0x0] =	vst.idx.msk vm4, v0  }
0x127: {  	v18 =	vld [tilespmem:s20+$0x50];
	_ =	sdelay $0x4  }
0x128: {  	v18 =	vsub.s32 v18, v19  }
0x129: {  	v55 =	vshll.u32 v18, $0x7  }
0x12a: {  	vm5 =	vlt.u32 v18, $0xC8;
	v18 =	vor.u32 v7, v55  }
0x12b: {  	v18 =	vsel vm5, v18, v7;
	_ =	sdelay $0x4  }
0x12c: {  	[tilespmem:v18+s15+$0x0] =	vst.idx.msk vm5, v0  }
0x12d: {  	v18 =	vld [tilespmem:s20+$0x60];
	_ =	sdelay $0x4  }
0x12e: {  	v18 =	vsub.s32 v18, v19  }
0x12f: {  	v56 =	vshll.u32 v18, $0x7  }
0x130: {  	vm6 =	vlt.u32 v18, $0xC8;
	v18 =	vor.u32 v8, v56  }
0x131: {  	v18 =	vsel vm6, v18, v8;
	_ =	sdelay $0x4  }
0x132: {  	[tilespmem:v18+s15+$0x0] =	vst.idx.msk vm6, v0  }
0x133: {  	v18 =	vld [tilespmem:s20+$0x70];
	_ =	sdelay $0x4  }
0x134: {  	v18 =	vsub.s32 v18, v19  }
0x135: {  	v19 =	vshll.u32 v18, $0x7  }
0x136: {  	s26 =	sshllo.u32 s18, $0x1;
	vm7 =	vlt.u32 v18, $0xC8;
	v18 =	vor.u32 v9, v19  }
0x137: {  	s28 =	sand.u32 $0xFF, s26;
	v18 =	vsel vm7, v18, v9  }
0x138: {  	s20 =	smul.u32 $0xCD, s28;
	_ =	sdelay $0x1  }
0x139: {  	s20 =	sshrl.u32 s20, $0xA  }
0x13a: {  	s29 =	smul.u32 $0x5, s20  }
0x13b: {  	s30 =	sshll.u32 s20, $0x7;
	[tilespmem:v18+s15+$0x0] =	vst.idx.msk vm7, v0  }
0x13c: {  	s19 =	ssub.s32 s26, s29;
	v18 =	vld [tilespmem:s30+$0x0]  }
0x13d: {  	s19 =	sand.u32 $0xFF, s19  }
0x13e: {  	s31 =	smul.u32 $0xC8, s19;
	_ =	sdelay $0x1  }
0x13f: {  	v19 =	vmov s31  }
0x140: {  	v18 =	vsub.s32 v18, v19  }
0x141: {  	v57 =	vshll.u32 v18, $0x7  }
0x142: {  	vm8 =	vlt.u32 v18, $0xC8;
	v18 =	vor.u32 v1, v57  }
0x143: {  	v18 =	vsel vm8, v18, v1;
	_ =	sdelay $0x4  }
0x144: {  	[tilespmem:v18+s15+$0x0] =	vst.idx.msk vm8, v2  }
0x145: {  	v18 =	vld [tilespmem:s30+$0x10];
	_ =	sdelay $0x4  }
0x146: {  	v18 =	vsub.s32 v18, v19  }
0x147: {  	v58 =	vshll.u32 v18, $0x7  }
0x148: {  	vm9 =	vlt.u32 v18, $0xC8;
	v18 =	vor.u32 v3, v58  }
0x149: {  	v18 =	vsel vm9, v18, v3;
	_ =	sdelay $0x4  }
0x14a: {  	[tilespmem:v18+s15+$0x0] =	vst.idx.msk vm9, v2  }
0x14b: {  	v18 =	vld [tilespmem:s30+$0x20];
	_ =	sdelay $0x4  }
0x14c: {  	v18 =	vsub.s32 v18, v19  }
0x14d: {  	v59 =	vshll.u32 v18, $0x7  }
0x14e: {  	vm10 =	vlt.u32 v18, $0xC8;
	v18 =	vor.u32 v4, v59  }
0x14f: {  	v18 =	vsel vm10, v18, v4;
	_ =	sdelay $0x4  }
0x150: {  	[tilespmem:v18+s15+$0x0] =	vst.idx.msk vm10, v2  }
0x151: {  	v18 =	vld [tilespmem:s30+$0x30];
	_ =	sdelay $0x4  }
0x152: {  	v18 =	vsub.s32 v18, v19  }
0x153: {  	v60 =	vshll.u32 v18, $0x7  }
0x154: {  	vm11 =	vlt.u32 v18, $0xC8;
	v18 =	vor.u32 v5, v60  }
0x155: {  	v18 =	vsel vm11, v18, v5;
	_ =	sdelay $0x4  }
0x156: {  	[tilespmem:v18+s15+$0x0] =	vst.idx.msk vm11, v2  }
0x157: {  	v18 =	vld [tilespmem:s30+$0x40];
	_ =	sdelay $0x4  }
0x158: {  	v18 =	vsub.s32 v18, v19  }
0x159: {  	v61 =	vshll.u32 v18, $0x7  }
0x15a: {  	vm12 =	vlt.u32 v18, $0xC8;
	v18 =	vor.u32 v6, v61  }
0x15b: {  	v18 =	vsel vm12, v18, v6;
	_ =	sdelay $0x4  }
0x15c: {  	[tilespmem:v18+s15+$0x0] =	vst.idx.msk vm12, v2  }
0x15d: {  	v18 =	vld [tilespmem:s30+$0x50];
	_ =	sdelay $0x4  }
0x15e: {  	v18 =	vsub.s32 v18, v19  }
0x15f: {  	v62 =	vshll.u32 v18, $0x7  }
0x160: {  	vm13 =	vlt.u32 v18, $0xC8;
	v18 =	vor.u32 v7, v62  }
0x161: {  	v18 =	vsel vm13, v18, v7;
	_ =	sdelay $0x4  }
0x162: {  	[tilespmem:v18+s15+$0x0] =	vst.idx.msk vm13, v2  }
0x163: {  	v18 =	vld [tilespmem:s30+$0x60];
	_ =	sdelay $0x4  }
0x164: {  	v18 =	vsub.s32 v18, v19  }
0x165: {  	v63 =	vshll.u32 v18, $0x7  }
0x166: {  	vm14 =	vlt.u32 v18, $0xC8;
	v18 =	vor.u32 v8, v63  }
0x167: {  	v18 =	vsel vm14, v18, v8;
	_ =	sdelay $0x4  }
0x168: {  	[tilespmem:v18+s15+$0x0] =	vst.idx.msk vm14, v2  }
0x169: {  	v18 =	vld [tilespmem:s30+$0x70];
	_ =	sdelay $0x4  }
0x16a: {  	v18 =	vsub.s32 v18, v19  }
0x16b: {  	v19 =	vshll.u32 v18, $0x7  }
0x16c: {  	s20 =	smul.u32 $0x3E8000, s20;
	vm15 =	vlt.u32 v18, $0xC8;
	v18 =	vor.u32 v9, v19  }
0x16d: {  	s19 =	smul.u32 $0xC8000, s19;
	v18 =	vsel vm15, v18, v9  }
0x16e: {  	p0 =	sne.s32 s18, $0x31  }
.Ltmp2:
0x16f: {  	s19 =	sadd.s32 s19, s20;
	(pc) =	sbr.rel @p0 .LBB2_6-.Ltmp2, $4  }
0x170: {  	s19 =	sor.u32 s4, s19  }
0x171: {  	s19 =	sshrl.u32 s19, $0x3  }
0x172: {  	s18 =	sadd.s32 $0x1, s18;
	s19 =	sadd.s32 s2, s19;
	[tilespmem:v18+s15+$0x0] =	vst.idx.msk vm15, v2  }
0x173: {  	[hbm4b:s19+s10] =	stream.strided.scatter [tilespmem:s15], [sflag:$0x2], $0x6400, s11, s10, $0x38;
	[tilespmem:$0xD400] =	vst v63  }
0x174: {  	s17 =	sadd.s32 $0x1, s17  }
0x175: {  	_ =	swait.ge [sflag:s13], $0x6400;
	p0 =	sne.s32 s17, s9  }
.Ltmp3:
0x176: {  	[sflag:s13] =	ssyncset.done $0x0;
	(pc) =	sbr.rel @p0 .LBB2_1-.Ltmp3, $4  }
0x177: {  	[sflag:s13] =	ssyncadd.s32 $0xFFFF9C00  }
0x178: {  	_ =	swait.ge [sflag:s16], $0x6400  }
0x179: {  	[sflag:s16] =	ssyncset.done $0x0  }
0x17a: {  	[sflag:s16] =	ssyncadd.s32 $0xFFFF9C00  }
0x17b: {  	_ =	sfence.sel $0x180000  }
0x17c: {  	[bflag:$0x0] =	sbarrier.arrive $0xFFFF  }
0x17d: {  	p0 =	sne.s32 s1, $0x0;
	_ =	strace $0x90000047  }
0x17e: {  	s0 =	sadd.s32 @!p0 $0x100000, s0;
	[bflag:$0x2] =	sbarrier.arrive $0xFFFF  }
0x17f: {  	[sflag:s0] =	ssyncadd.tile.s32 @!p0 $0x1;
	_ =	shalt  }
.Lfunc_end2:
_tile_overlayer_lowered:
.L_overlay_start_2:
0x180: {  	(tag) =	ssettag $0x2  }
0x181: {  	s0 =	rddreg [dreg:$0x0];
	s2 =	stileid.u32  }
0x182: {  	s1 =	rddreg [dreg:$0x1];
	p0 =	sne.s32 s2, $0x0  }
0x183: {  	s3 =	rddreg [dreg:$0x2];
	[bflag:$0x3] =	sbarrier.arrive $0xFFFF;
	s2 =	simm.s32 @!p0 $0x1C03  }
0x184: {  	[timem:s3], [sflag:s2] =	dma.local @!p0 [hbm:s0], s1  }
0x185: {  	s0 =	simm.s32 @!p0 $0x3  }
0x186: {  	_ =	swait.ge @!p0 [sflag:s0], s1  }
0x187: {  	s1 =	ssub.s32 @!p0 $0x0, s1;
	[sflag:s0] =	ssyncset.done @!p0 $0x0  }
0x188: {  	[sflag:s0] =	ssyncadd.s32 @!p0 s1  }
0x189: {  	[bflag:$0x3] =	sbarrier.arrive $0xFFFF  }
0x18a: {  	_ =	shalt  }

</sc_bundles>
